<compile_context>
chip_gen: v7x
topology: tpu7x:2x2x1
jax: 0.10.2.dev20260603
libtpu: 0.0.44.dev20260713+nightly
codegen_flags: <defaults>
</compile_context>

<pallas_src>
import functools

import jax
import jax.numpy as jnp
from jax import lax
from jax.experimental import pallas as pl
from jax.experimental.pallas import tpu as pltpu
from jax.experimental.pallas import tpu_sc as plsc

BATCH = 16384
HIST = 50
HIDDEN = 64
HHALF = HIST // 2

NUM_CORES = 2
NUM_SUBCORES = 16
NUM_WORKERS = NUM_CORES * NUM_SUBCORES

B_PER_WORKER = BATCH // NUM_WORKERS
NBB = 8
NCHUNK = B_PER_WORKER // NBB
GROUPS = NCHUNK // 2


def _build_kernel():
    mesh = plsc.VectorSubcoreMesh(core_axis_name="c", subcore_axis_name="s")

    half = jax.ShapeDtypeStruct((BATCH, HHALF, HIDDEN), jnp.float32)

    @functools.partial(
        pl.kernel,
        mesh=mesh,
        compiler_params=pltpu.CompilerParams(use_tc_tiling_on_sc=False),
        out_type=(half, half),
        scratch_types=[
            pltpu.VMEM((B_PER_WORKER, HIST), jnp.int32),
            pltpu.VMEM((NBB, HIST, HIDDEN), jnp.float32),
            pltpu.VMEM((NBB, HIST, HIDDEN), jnp.float32),
            pltpu.SemaphoreType.DMA,
            pltpu.SemaphoreType.DMA,
        ],
    )
    def emb_kernel(
        idx_hbm, table_hbm, out1_hbm, out2_hbm, idx_v, buf_a, buf_b, sem_a, sem_b
    ):
        wid = lax.axis_index("s") * NUM_CORES + lax.axis_index("c")
        base_b = wid * B_PER_WORKER
        pltpu.sync_copy(idx_hbm.at[pl.ds(base_b, B_PER_WORKER)], idx_v)

        def fire(c, buf, sem):
            for k in range(NBB):
                pltpu.async_copy(
                    table_hbm.at[idx_v.at[c * NBB + k]],
                    buf.at[k],
                    sem,
                )

        def drain_and_write(c, buf, sem):
            for k in range(NBB):
                pltpu.make_async_copy(
                    table_hbm.at[pl.ds(0, HIST)],
                    buf.at[k],
                    sem,
                ).wait()
            bs = pl.ds(base_b + c * NBB, NBB)
            pltpu.sync_copy(buf.at[:, pl.ds(0, HHALF)], out1_hbm.at[bs])
            pltpu.sync_copy(buf.at[:, pl.ds(HHALF, HHALF)], out2_hbm.at[bs])

        fire(0, buf_a, sem_a)

        def group(g, carry):
            for p, (buf, sem, obuf, osem) in enumerate(
                ((buf_a, sem_a, buf_b, sem_b), (buf_b, sem_b, buf_a, sem_a))
            ):
                c = 2 * g + p

                @pl.when(c + 1 < NCHUNK)
                def _():
                    fire(c + 1, obuf, osem)

                drain_and_write(c, buf, sem)
            return carry

        lax.fori_loop(0, GROUPS, group, 0)

    return emb_kernel


_EMB_KERNEL = _build_kernel()


@jax.jit
def kernel(input_ids, weight):
    o1, o2 = _EMB_KERNEL(input_ids.astype(jnp.int32), weight)
    return jnp.concatenate([o1, o2], axis=1)

# --- scband reference (transcript-rebuilt; emitter-appended) ---
"""Pipeline reference for scband-vocab-parallel-embedding-63170378989894 (READ-ONLY COPY).

The authoritative reference and input builder live on the scoring server;
editing this copy changes nothing except your own understanding.
"""

import jax, jax.numpy as jnp
import numpy as np

VOCAB = 1000000
HIDDEN = 64
BATCH = 16384
HIST = 50


def setup_inputs(seed: int = 0) -> dict:
    key = jax.random.key(seed)
    k_idx, k_w = jax.random.split(key)
    input_ids = jax.random.randint(k_idx, (BATCH, HIST), 0, VOCAB, dtype=jnp.int64 if jax.config.jax_enable_x64 else jnp.int32)
    weight = jax.random.normal(k_w, (VOCAB, HIDDEN), dtype=jnp.float32) * 0.02
    return {"input_ids": input_ids, "weight": weight}


def reference(input_ids, weight):
    # F.embedding(input_ids, weight) -> gather rows of weight
    return jnp.take(weight, input_ids, axis=0)

if __name__ == "__main__":
    import jax
    _d = setup_inputs()
    print(jax.jit(kernel)(*tuple(_d.values())))

</pallas_src>

<mosaic_0001>
#map = affine_map<(d0, d1) -> (0, 0)>
#map1 = affine_map<(d0, d1) -> (0, 0, 0)>
module attributes {stable_mosaic.version = 14 : i64} {
  func.func @emb_kernel(%arg0: i32, %arg1: i32, %arg2: memref<16384x50xi32, #tpu.memory_space<hbm>>, %arg3: memref<1000000x64xf32, #tpu.memory_space<hbm>>, %arg4: memref<16384x25x64xf32, #tpu.memory_space<hbm>>, %arg5: memref<16384x25x64xf32, #tpu.memory_space<hbm>>, %arg6: memref<512x50xi32, #tpu.memory_space<vmem>>, %arg7: memref<8x50x64xf32, #tpu.memory_space<vmem>>, %arg8: memref<8x50x64xf32, #tpu.memory_space<vmem>>, %arg9: memref<!tpu.dma_semaphore, #tpu.memory_space<semaphore_mem>>, %arg10: memref<!tpu.dma_semaphore, #tpu.memory_space<semaphore_mem>>) attributes {dimension_semantics = [#tpu.dimension_semantics<core_parallel>, #tpu.dimension_semantics<subcore_parallel>], iteration_bounds = array<i64: 2, 16>, scalar_prefetch = 0 : i64, scratch_operands = 5 : i64, tpu.core_type = #tpu.core_type<sc_vector_subcore>, window_params = [{transform_indices = #map}, {transform_indices = #map}, {transform_indices = #map1}, {transform_indices = #map1}]} {
    %mul3A = arith.constant 2 : i32
    %mul3A_0 = arith.muli %arg1, %mul3A : i32
    %add3A = arith.addi %mul3A_0, %arg0 : i32
    %mul3A_1 = arith.constant 512 : i32
    %mul3A_2 = arith.muli %add3A, %mul3A_1 : i32
    "tpu.region"() ({
      %run_scoped3A = tpu.sem_alloc : memref<!tpu.dma_semaphore, #tpu.memory_space<semaphore_mem>>
      %dma_start3A_103 = arith.constant 0 : i32
      %dma_start3A_104 = tpu.memref_slice %arg2[%mul3A_2, %dma_start3A_103] : memref<16384x50xi32, #tpu.memory_space<hbm>> -> memref<512x50xi32, #tpu.memory_space<hbm>>
      %dma_start3A_105 = arith.constant 0 : i32
      %dma_start3A_106 = tpu.memref_slice %arg2[%mul3A_2, %dma_start3A_105] : memref<16384x50xi32, #tpu.memory_space<hbm>> -> memref<512x50xi32, #tpu.memory_space<hbm>>
      tpu.enqueue_dma source(%dma_start3A_106 : memref<512x50xi32, #tpu.memory_space<hbm>>) target(%arg6 : memref<512x50xi32, #tpu.memory_space<vmem>>) target_semaphore(%run_scoped3A : memref<!tpu.dma_semaphore, #tpu.memory_space<semaphore_mem>>)
      %dma_wait3A = arith.constant 0 : i32
      %dma_wait3A_107 = tpu.memref_slice %arg2[%mul3A_2, %dma_wait3A] : memref<16384x50xi32, #tpu.memory_space<hbm>> -> memref<512x50xi32, #tpu.memory_space<hbm>>
      %dma_wait3A_108 = arith.constant 0 : i32
      %dma_wait3A_109 = tpu.memref_slice %arg2[%mul3A_2, %dma_wait3A_108] : memref<16384x50xi32, #tpu.memory_space<hbm>> -> memref<512x50xi32, #tpu.memory_space<hbm>>
      tpu.wait_dma2 semaphore(%run_scoped3A : memref<!tpu.dma_semaphore, #tpu.memory_space<semaphore_mem>>) src(%dma_wait3A_109 : memref<512x50xi32, #tpu.memory_space<hbm>>) dst(%arg6 : memref<512x50xi32, #tpu.memory_space<vmem>>)
      tpu.yield
    }) : () -> ()
    %dma_start3A = arith.constant 0 : i32
    %dma_start3A_3 = arith.constant 0 : i32
    %dma_start3A_4 = arith.constant 0 : i32
    %dma_start3A_5 = arith.constant 0 : i32
    %dma_start3A_6 = tpu.memref_slice %arg7[%dma_start3A_3, %dma_start3A_4, %dma_start3A_5] : memref<8x50x64xf32, #tpu.memory_space<vmem>> -> memref<1x50x64xf32, #tpu.memory_space<vmem>>
    %dma_start3A_7 = tpu.memref_squeeze %dma_start3A_6 : memref<1x50x64xf32, #tpu.memory_space<vmem>> -> memref<50x64xf32, #tpu.memory_space<vmem>>
    %dma_start3A_8 = arith.constant 0 : i32
    %dma_start3A_9 = tpu.memref_slice %arg6[%dma_start3A, %dma_start3A_8] : memref<512x50xi32, #tpu.memory_space<vmem>> -> memref<1x50xi32, #tpu.memory_space<vmem>>
    %dma_start3A_10 = tpu.memref_squeeze %dma_start3A_9 : memref<1x50xi32, #tpu.memory_space<vmem>> -> memref<50xi32, #tpu.memory_space<vmem>>
    %dma_start3A_11 = arith.constant 0 : i32
    %dma_start3A_12 = arith.constant 0 : i32
    %dma_start3A_13 = tpu.memref_slice %arg3[%dma_start3A_11, %dma_start3A_12] : memref<1000000x64xf32, #tpu.memory_space<hbm>> -> memref<1000000x64xf32, #tpu.memory_space<hbm>>
    tpu.enqueue_indirect_dma source(%dma_start3A_13 : memref<1000000x64xf32, #tpu.memory_space<hbm>>) target(%dma_start3A_7 : memref<50x64xf32, #tpu.memory_space<vmem>>) offsets(%dma_start3A_10 : memref<50xi32, #tpu.memory_space<vmem>>) semaphore(%arg9 : memref<!tpu.dma_semaphore, #tpu.memory_space<semaphore_mem>>)
    %dma_start3A_14 = arith.constant 1 : i32
    %dma_start3A_15 = arith.constant 1 : i32
    %dma_start3A_16 = arith.constant 0 : i32
    %dma_start3A_17 = arith.constant 0 : i32
    %dma_start3A_18 = tpu.memref_slice %arg7[%dma_start3A_15, %dma_start3A_16, %dma_start3A_17] : memref<8x50x64xf32, #tpu.memory_space<vmem>> -> memref<1x50x64xf32, #tpu.memory_space<vmem>>
    %dma_start3A_19 = tpu.memref_squeeze %dma_start3A_18 : memref<1x50x64xf32, #tpu.memory_space<vmem>> -> memref<50x64xf32, #tpu.memory_space<vmem>>
    %dma_start3A_20 = arith.constant 0 : i32
    %dma_start3A_21 = tpu.memref_slice %arg6[%dma_start3A_14, %dma_start3A_20] : memref<512x50xi32, #tpu.memory_space<vmem>> -> memref<1x50xi32, #tpu.memory_space<vmem>>
    %dma_start3A_22 = tpu.memref_squeeze %dma_start3A_21 : memref<1x50xi32, #tpu.memory_space<vmem>> -> memref<50xi32, #tpu.memory_space<vmem>>
    %dma_start3A_23 = arith.constant 0 : i32
    %dma_start3A_24 = arith.constant 0 : i32
    %dma_start3A_25 = tpu.memref_slice %arg3[%dma_start3A_23, %dma_start3A_24] : memref<1000000x64xf32, #tpu.memory_space<hbm>> -> memref<1000000x64xf32, #tpu.memory_space<hbm>>
    tpu.enqueue_indirect_dma source(%dma_start3A_25 : memref<1000000x64xf32, #tpu.memory_space<hbm>>) target(%dma_start3A_19 : memref<50x64xf32, #tpu.memory_space<vmem>>) offsets(%dma_start3A_22 : memref<50xi32, #tpu.memory_space<vmem>>) semaphore(%arg9 : memref<!tpu.dma_semaphore, #tpu.memory_space<semaphore_mem>>)
    %dma_start3A_26 = arith.constant 2 : i32
    %dma_start3A_27 = arith.constant 2 : i32
    %dma_start3A_28 = arith.constant 0 : i32
    %dma_start3A_29 = arith.constant 0 : i32
    %dma_start3A_30 = tpu.memref_slice %arg7[%dma_start3A_27, %dma_start3A_28, %dma_start3A_29] : memref<8x50x64xf32, #tpu.memory_space<vmem>> -> memref<1x50x64xf32, #tpu.memory_space<vmem>>
    %dma_start3A_31 = tpu.memref_squeeze %dma_start3A_30 : memref<1x50x64xf32, #tpu.memory_space<vmem>> -> memref<50x64xf32, #tpu.memory_space<vmem>>
    %dma_start3A_32 = arith.constant 0 : i32
    %dma_start3A_33 = tpu.memref_slice %arg6[%dma_start3A_26, %dma_start3A_32] : memref<512x50xi32, #tpu.memory_space<vmem>> -> memref<1x50xi32, #tpu.memory_space<vmem>>
    %dma_start3A_34 = tpu.memref_squeeze %dma_start3A_33 : memref<1x50xi32, #tpu.memory_space<vmem>> -> memref<50xi32, #tpu.memory_space<vmem>>
    %dma_start3A_35 = arith.constant 0 : i32
    %dma_start3A_36 = arith.constant 0 : i32
    %dma_start3A_37 = tpu.memref_slice %arg3[%dma_start3A_35, %dma_start3A_36] : memref<1000000x64xf32, #tpu.memory_space<hbm>> -> memref<1000000x64xf32, #tpu.memory_space<hbm>>
    tpu.enqueue_indirect_dma source(%dma_start3A_37 : memref<1000000x64xf32, #tpu.memory_space<hbm>>) target(%dma_start3A_31 : memref<50x64xf32, #tpu.memory_space<vmem>>) offsets(%dma_start3A_34 : memref<50xi32, #tpu.memory_space<vmem>>) semaphore(%arg9 : memref<!tpu.dma_semaphore, #tpu.memory_space<semaphore_mem>>)
    %dma_start3A_38 = arith.constant 3 : i32
    %dma_start3A_39 = arith.constant 3 : i32
    %dma_start3A_40 = arith.constant 0 : i32
    %dma_start3A_41 = arith.constant 0 : i32
    %dma_start3A_42 = tpu.memref_slice %arg7[%dma_start3A_39, %dma_start3A_40, %dma_start3A_41] : memref<8x50x64xf32, #tpu.memory_space<vmem>> -> memref<1x50x64xf32, #tpu.memory_space<vmem>>
    %dma_start3A_43 = tpu.memref_squeeze %dma_start3A_42 : memref<1x50x64xf32, #tpu.memory_space<vmem>> -> memref<50x64xf32, #tpu.memory_space<vmem>>
    %dma_start3A_44 = arith.constant 0 : i32
    %dma_start3A_45 = tpu.memref_slice %arg6[%dma_start3A_38, %dma_start3A_44] : memref<512x50xi32, #tpu.memory_space<vmem>> -> memref<1x50xi32, #tpu.memory_space<vmem>>
    %dma_start3A_46 = tpu.memref_squeeze %dma_start3A_45 : memref<1x50xi32, #tpu.memory_space<vmem>> -> memref<50xi32, #tpu.memory_space<vmem>>
    %dma_start3A_47 = arith.constant 0 : i32
    %dma_start3A_48 = arith.constant 0 : i32
    %dma_start3A_49 = tpu.memref_slice %arg3[%dma_start3A_47, %dma_start3A_48] : memref<1000000x64xf32, #tpu.memory_space<hbm>> -> memref<1000000x64xf32, #tpu.memory_space<hbm>>
    tpu.enqueue_indirect_dma source(%dma_start3A_49 : memref<1000000x64xf32, #tpu.memory_space<hbm>>) target(%dma_start3A_43 : memref<50x64xf32, #tpu.memory_space<vmem>>) offsets(%dma_start3A_46 : memref<50xi32, #tpu.memory_space<vmem>>) semaphore(%arg9 : memref<!tpu.dma_semaphore, #tpu.memory_space<semaphore_mem>>)
    %dma_start3A_50 = arith.constant 4 : i32
    %dma_start3A_51 = arith.constant 4 : i32
    %dma_start3A_52 = arith.constant 0 : i32
    %dma_start3A_53 = arith.constant 0 : i32
    %dma_start3A_54 = tpu.memref_slice %arg7[%dma_start3A_51, %dma_start3A_52, %dma_start3A_53] : memref<8x50x64xf32, #tpu.memory_space<vmem>> -> memref<1x50x64xf32, #tpu.memory_space<vmem>>
    %dma_start3A_55 = tpu.memref_squeeze %dma_start3A_54 : memref<1x50x64xf32, #tpu.memory_space<vmem>> -> memref<50x64xf32, #tpu.memory_space<vmem>>
    %dma_start3A_56 = arith.constant 0 : i32
    %dma_start3A_57 = tpu.memref_slice %arg6[%dma_start3A_50, %dma_start3A_56] : memref<512x50xi32, #tpu.memory_space<vmem>> -> memref<1x50xi32, #tpu.memory_space<vmem>>
    %dma_start3A_58 = tpu.memref_squeeze %dma_start3A_57 : memref<1x50xi32, #tpu.memory_space<vmem>> -> memref<50xi32, #tpu.memory_space<vmem>>
    %dma_start3A_59 = arith.constant 0 : i32
    %dma_start3A_60 = arith.constant 0 : i32
    %dma_start3A_61 = tpu.memref_slice %arg3[%dma_start3A_59, %dma_start3A_60] : memref<1000000x64xf32, #tpu.memory_space<hbm>> -> memref<1000000x64xf32, #tpu.memory_space<hbm>>
    tpu.enqueue_indirect_dma source(%dma_start3A_61 : memref<1000000x64xf32, #tpu.memory_space<hbm>>) target(%dma_start3A_55 : memref<50x64xf32, #tpu.memory_space<vmem>>) offsets(%dma_start3A_58 : memref<50xi32, #tpu.memory_space<vmem>>) semaphore(%arg9 : memref<!tpu.dma_semaphore, #tpu.memory_space<semaphore_mem>>)
    %dma_start3A_62 = arith.constant 5 : i32
    %dma_start3A_63 = arith.constant 5 : i32
    %dma_start3A_64 = arith.constant 0 : i32
    %dma_start3A_65 = arith.constant 0 : i32
    %dma_start3A_66 = tpu.memref_slice %arg7[%dma_start3A_63, %dma_start3A_64, %dma_start3A_65] : memref<8x50x64xf32, #tpu.memory_space<vmem>> -> memref<1x50x64xf32, #tpu.memory_space<vmem>>
    %dma_start3A_67 = tpu.memref_squeeze %dma_start3A_66 : memref<1x50x64xf32, #tpu.memory_space<vmem>> -> memref<50x64xf32, #tpu.memory_space<vmem>>
    %dma_start3A_68 = arith.constant 0 : i32
    %dma_start3A_69 = tpu.memref_slice %arg6[%dma_start3A_62, %dma_start3A_68] : memref<512x50xi32, #tpu.memory_space<vmem>> -> memref<1x50xi32, #tpu.memory_space<vmem>>
    %dma_start3A_70 = tpu.memref_squeeze %dma_start3A_69 : memref<1x50xi32, #tpu.memory_space<vmem>> -> memref<50xi32, #tpu.memory_space<vmem>>
    %dma_start3A_71 = arith.constant 0 : i32
    %dma_start3A_72 = arith.constant 0 : i32
    %dma_start3A_73 = tpu.memref_slice %arg3[%dma_start3A_71, %dma_start3A_72] : memref<1000000x64xf32, #tpu.memory_space<hbm>> -> memref<1000000x64xf32, #tpu.memory_space<hbm>>
    tpu.enqueue_indirect_dma source(%dma_start3A_73 : memref<1000000x64xf32, #tpu.memory_space<hbm>>) target(%dma_start3A_67 : memref<50x64xf32, #tpu.memory_space<vmem>>) offsets(%dma_start3A_70 : memref<50xi32, #tpu.memory_space<vmem>>) semaphore(%arg9 : memref<!tpu.dma_semaphore, #tpu.memory_space<semaphore_mem>>)
    %dma_start3A_74 = arith.constant 6 : i32
    %dma_start3A_75 = arith.constant 6 : i32
    %dma_start3A_76 = arith.constant 0 : i32
    %dma_start3A_77 = arith.constant 0 : i32
    %dma_start3A_78 = tpu.memref_slice %arg7[%dma_start3A_75, %dma_start3A_76, %dma_start3A_77] : memref<8x50x64xf32, #tpu.memory_space<vmem>> -> memref<1x50x64xf32, #tpu.memory_space<vmem>>
    %dma_start3A_79 = tpu.memref_squeeze %dma_start3A_78 : memref<1x50x64xf32, #tpu.memory_space<vmem>> -> memref<50x64xf32, #tpu.memory_space<vmem>>
    %dma_start3A_80 = arith.constant 0 : i32
    %dma_start3A_81 = tpu.memref_slice %arg6[%dma_start3A_74, %dma_start3A_80] : memref<512x50xi32, #tpu.memory_space<vmem>> -> memref<1x50xi32, #tpu.memory_space<vmem>>
    %dma_start3A_82 = tpu.memref_squeeze %dma_start3A_81 : memref<1x50xi32, #tpu.memory_space<vmem>> -> memref<50xi32, #tpu.memory_space<vmem>>
    %dma_start3A_83 = arith.constant 0 : i32
    %dma_start3A_84 = arith.constant 0 : i32
    %dma_start3A_85 = tpu.memref_slice %arg3[%dma_start3A_83, %dma_start3A_84] : memref<1000000x64xf32, #tpu.memory_space<hbm>> -> memref<1000000x64xf32, #tpu.memory_space<hbm>>
    tpu.enqueue_indirect_dma source(%dma_start3A_85 : memref<1000000x64xf32, #tpu.memory_space<hbm>>) target(%dma_start3A_79 : memref<50x64xf32, #tpu.memory_space<vmem>>) offsets(%dma_start3A_82 : memref<50xi32, #tpu.memory_space<vmem>>) semaphore(%arg9 : memref<!tpu.dma_semaphore, #tpu.memory_space<semaphore_mem>>)
    %dma_start3A_86 = arith.constant 7 : i32
    %dma_start3A_87 = arith.constant 7 : i32
    %dma_start3A_88 = arith.constant 0 : i32
    %dma_start3A_89 = arith.constant 0 : i32
    %dma_start3A_90 = tpu.memref_slice %arg7[%dma_start3A_87, %dma_start3A_88, %dma_start3A_89] : memref<8x50x64xf32, #tpu.memory_space<vmem>> -> memref<1x50x64xf32, #tpu.memory_space<vmem>>
    %dma_start3A_91 = tpu.memref_squeeze %dma_start3A_90 : memref<1x50x64xf32, #tpu.memory_space<vmem>> -> memref<50x64xf32, #tpu.memory_space<vmem>>
    %dma_start3A_92 = arith.constant 0 : i32
    %dma_start3A_93 = tpu.memref_slice %arg6[%dma_start3A_86, %dma_start3A_92] : memref<512x50xi32, #tpu.memory_space<vmem>> -> memref<1x50xi32, #tpu.memory_space<vmem>>
    %dma_start3A_94 = tpu.memref_squeeze %dma_start3A_93 : memref<1x50xi32, #tpu.memory_space<vmem>> -> memref<50xi32, #tpu.memory_space<vmem>>
    %dma_start3A_95 = arith.constant 0 : i32
    %dma_start3A_96 = arith.constant 0 : i32
    %dma_start3A_97 = tpu.memref_slice %arg3[%dma_start3A_95, %dma_start3A_96] : memref<1000000x64xf32, #tpu.memory_space<hbm>> -> memref<1000000x64xf32, #tpu.memory_space<hbm>>
    tpu.enqueue_indirect_dma source(%dma_start3A_97 : memref<1000000x64xf32, #tpu.memory_space<hbm>>) target(%dma_start3A_91 : memref<50x64xf32, #tpu.memory_space<vmem>>) offsets(%dma_start3A_94 : memref<50xi32, #tpu.memory_space<vmem>>) semaphore(%arg9 : memref<!tpu.dma_semaphore, #tpu.memory_space<semaphore_mem>>)
    %scan3A = arith.constant 0 : i32
    %scan3A_98 = arith.constant 0 : i32
    %scan3A_99 = arith.constant 32 : i32
    %scan3A_100 = arith.addi %scan3A_98, %scan3A_99 : i32
    %scan3A_101 = arith.constant 1 : i32
    scf.for %scan3A_103 = %scan3A_98 to %scan3A_100 step %scan3A_101  : i32 {
      %mul3A_104 = arith.constant 2 : i32
      %mul3A_105 = arith.muli %mul3A_104, %scan3A_103 : i32
      %add3A_106 = arith.constant 0 : i32
      %add3A_107 = arith.addi %mul3A_105, %add3A_106 : i32
      %add3A_108 = arith.constant 1 : i32
      %add3A_109 = arith.addi %add3A_107, %add3A_108 : i32
      %lt3A = arith.constant 64 : i32
      %lt3A_110 = arith.cmpi slt, %add3A_109, %lt3A : i32
      %convert_element_type3A = arith.extui %lt3A_110 : i1 to i32
      %cond3A = arith.constant 0 : i32
      %cond3A_111 = arith.cmpi ne, %convert_element_type3A, %cond3A : i32
      scf.if %cond3A_111 {
        %add3A_368 = arith.constant 1 : i32
        %add3A_369 = arith.addi %add3A_107, %add3A_368 : i32
        %mul3A_370 = arith.constant 8 : i32
        %mul3A_371 = arith.muli %add3A_369, %mul3A_370 : i32
        %add3A_372 = arith.constant 0 : i32
        %add3A_373 = arith.addi %mul3A_371, %add3A_372 : i32
        %dma_start3A_374 = arith.constant 0 : i32
        %dma_start3A_375 = arith.constant 0 : i32
        %dma_start3A_376 = arith.constant 0 : i32
        %dma_start3A_377 = tpu.memref_slice %arg8[%dma_start3A_374, %dma_start3A_375, %dma_start3A_376] : memref<8x50x64xf32, #tpu.memory_space<vmem>> -> memref<1x50x64xf32, #tpu.memory_space<vmem>>
        %dma_start3A_378 = tpu.memref_squeeze %dma_start3A_377 : memref<1x50x64xf32, #tpu.memory_space<vmem>> -> memref<50x64xf32, #tpu.memory_space<vmem>>
        %dma_start3A_379 = arith.constant 0 : i32
        %dma_start3A_380 = tpu.memref_slice %arg6[%add3A_373, %dma_start3A_379] : memref<512x50xi32, #tpu.memory_space<vmem>> -> memref<1x50xi32, #tpu.memory_space<vmem>>
        %dma_start3A_381 = tpu.memref_squeeze %dma_start3A_380 : memref<1x50xi32, #tpu.memory_space<vmem>> -> memref<50xi32, #tpu.memory_space<vmem>>
        %dma_start3A_382 = arith.constant 0 : i32
        %dma_start3A_383 = arith.constant 0 : i32
        %dma_start3A_384 = tpu.memref_slice %arg3[%dma_start3A_382, %dma_start3A_383] : memref<1000000x64xf32, #tpu.memory_space<hbm>> -> memref<1000000x64xf32, #tpu.memory_space<hbm>>
        tpu.enqueue_indirect_dma source(%dma_start3A_384 : memref<1000000x64xf32, #tpu.memory_space<hbm>>) target(%dma_start3A_378 : memref<50x64xf32, #tpu.memory_space<vmem>>) offsets(%dma_start3A_381 : memref<50xi32, #tpu.memory_space<vmem>>) semaphore(%arg10 : memref<!tpu.dma_semaphore, #tpu.memory_space<semaphore_mem>>)
        %mul3A_385 = arith.constant 8 : i32
        %mul3A_386 = arith.muli %add3A_369, %mul3A_385 : i32
        %add3A_387 = arith.constant 1 : i32
        %add3A_388 = arith.addi %mul3A_386, %add3A_387 : i32
        %dma_start3A_389 = arith.constant 1 : i32
        %dma_start3A_390 = arith.constant 0 : i32
        %dma_start3A_391 = arith.constant 0 : i32
        %dma_start3A_392 = tpu.memref_slice %arg8[%dma_start3A_389, %dma_start3A_390, %dma_start3A_391] : memref<8x50x64xf32, #tpu.memory_space<vmem>> -> memref<1x50x64xf32, #tpu.memory_space<vmem>>
        %dma_start3A_393 = tpu.memref_squeeze %dma_start3A_392 : memref<1x50x64xf32, #tpu.memory_space<vmem>> -> memref<50x64xf32, #tpu.memory_space<vmem>>
        %dma_start3A_394 = arith.constant 0 : i32
        %dma_start3A_395 = tpu.memref_slice %arg6[%add3A_388, %dma_start3A_394] : memref<512x50xi32, #tpu.memory_space<vmem>> -> memref<1x50xi32, #tpu.memory_space<vmem>>
        %dma_start3A_396 = tpu.memref_squeeze %dma_start3A_395 : memref<1x50xi32, #tpu.memory_space<vmem>> -> memref<50xi32, #tpu.memory_space<vmem>>
        %dma_start3A_397 = arith.constant 0 : i32
        %dma_start3A_398 = arith.constant 0 : i32
        %dma_start3A_399 = tpu.memref_slice %arg3[%dma_start3A_397, %dma_start3A_398] : memref<1000000x64xf32, #tpu.memory_space<hbm>> -> memref<1000000x64xf32, #tpu.memory_space<hbm>>
        tpu.enqueue_indirect_dma source(%dma_start3A_399 : memref<1000000x64xf32, #tpu.memory_space<hbm>>) target(%dma_start3A_393 : memref<50x64xf32, #tpu.memory_space<vmem>>) offsets(%dma_start3A_396 : memref<50xi32, #tpu.memory_space<vmem>>) semaphore(%arg10 : memref<!tpu.dma_semaphore, #tpu.memory_space<semaphore_mem>>)
        %mul3A_400 = arith.constant 8 : i32
        %mul3A_401 = arith.muli %add3A_369, %mul3A_400 : i32
        %add3A_402 = arith.constant 2 : i32
        %add3A_403 = arith.addi %mul3A_401, %add3A_402 : i32
        %dma_start3A_404 = arith.constant 2 : i32
        %dma_start3A_405 = arith.constant 0 : i32
        %dma_start3A_406 = arith.constant 0 : i32
        %dma_start3A_407 = tpu.memref_slice %arg8[%dma_start3A_404, %dma_start3A_405, %dma_start3A_406] : memref<8x50x64xf32, #tpu.memory_space<vmem>> -> memref<1x50x64xf32, #tpu.memory_space<vmem>>
        %dma_start3A_408 = tpu.memref_squeeze %dma_start3A_407 : memref<1x50x64xf32, #tpu.memory_space<vmem>> -> memref<50x64xf32, #tpu.memory_space<vmem>>
        %dma_start3A_409 = arith.constant 0 : i32
        %dma_start3A_410 = tpu.memref_slice %arg6[%add3A_403, %dma_start3A_409] : memref<512x50xi32, #tpu.memory_space<vmem>> -> memref<1x50xi32, #tpu.memory_space<vmem>>
        %dma_start3A_411 = tpu.memref_squeeze %dma_start3A_410 : memref<1x50xi32, #tpu.memory_space<vmem>> -> memref<50xi32, #tpu.memory_space<vmem>>
        %dma_start3A_412 = arith.constant 0 : i32
        %dma_start3A_413 = arith.constant 0 : i32
        %dma_start3A_414 = tpu.memref_slice %arg3[%dma_start3A_412, %dma_start3A_413] : memref<1000000x64xf32, #tpu.memory_space<hbm>> -> memref<1000000x64xf32, #tpu.memory_space<hbm>>
        tpu.enqueue_indirect_dma source(%dma_start3A_414 : memref<1000000x64xf32, #tpu.memory_space<hbm>>) target(%dma_start3A_408 : memref<50x64xf32, #tpu.memory_space<vmem>>) offsets(%dma_start3A_411 : memref<50xi32, #tpu.memory_space<vmem>>) semaphore(%arg10 : memref<!tpu.dma_semaphore, #tpu.memory_space<semaphore_mem>>)
        %mul3A_415 = arith.constant 8 : i32
        %mul3A_416 = arith.muli %add3A_369, %mul3A_415 : i32
        %add3A_417 = arith.constant 3 : i32
        %add3A_418 = arith.addi %mul3A_416, %add3A_417 : i32
        %dma_start3A_419 = arith.constant 3 : i32
        %dma_start3A_420 = arith.constant 0 : i32
        %dma_start3A_421 = arith.constant 0 : i32
        %dma_start3A_422 = tpu.memref_slice %arg8[%dma_start3A_419, %dma_start3A_420, %dma_start3A_421] : memref<8x50x64xf32, #tpu.memory_space<vmem>> -> memref<1x50x64xf32, #tpu.memory_space<vmem>>
        %dma_start3A_423 = tpu.memref_squeeze %dma_start3A_422 : memref<1x50x64xf32, #tpu.memory_space<vmem>> -> memref<50x64xf32, #tpu.memory_space<vmem>>
        %dma_start3A_424 = arith.constant 0 : i32
        %dma_start3A_425 = tpu.memref_slice %arg6[%add3A_418, %dma_start3A_424] : memref<512x50xi32, #tpu.memory_space<vmem>> -> memref<1x50xi32, #tpu.memory_space<vmem>>
        %dma_start3A_426 = tpu.memref_squeeze %dma_start3A_425 : memref<1x50xi32, #tpu.memory_space<vmem>> -> memref<50xi32, #tpu.memory_space<vmem>>
        %dma_start3A_427 = arith.constant 0 : i32
        %dma_start3A_428 = arith.constant 0 : i32
        %dma_start3A_429 = tpu.memref_slice %arg3[%dma_start3A_427, %dma_start3A_428] : memref<1000000x64xf32, #tpu.memory_space<hbm>> -> memref<1000000x64xf32, #tpu.memory_space<hbm>>
        tpu.enqueue_indirect_dma source(%dma_start3A_429 : memref<1000000x64xf32, #tpu.memory_space<hbm>>) target(%dma_start3A_423 : memref<50x64xf32, #tpu.memory_space<vmem>>) offsets(%dma_start3A_426 : memref<50xi32, #tpu.memory_space<vmem>>) semaphore(%arg10 : memref<!tpu.dma_semaphore, #tpu.memory_space<semaphore_mem>>)
        %mul3A_430 = arith.constant 8 : i32
        %mul3A_431 = arith.muli %add3A_369, %mul3A_430 : i32
        %add3A_432 = arith.constant 4 : i32
        %add3A_433 = arith.addi %mul3A_431, %add3A_432 : i32
        %dma_start3A_434 = arith.constant 4 : i32
        %dma_start3A_435 = arith.constant 0 : i32
        %dma_start3A_436 = arith.constant 0 : i32
        %dma_start3A_437 = tpu.memref_slice %arg8[%dma_start3A_434, %dma_start3A_435, %dma_start3A_436] : memref<8x50x64xf32, #tpu.memory_space<vmem>> -> memref<1x50x64xf32, #tpu.memory_space<vmem>>
        %dma_start3A_438 = tpu.memref_squeeze %dma_start3A_437 : memref<1x50x64xf32, #tpu.memory_space<vmem>> -> memref<50x64xf32, #tpu.memory_space<vmem>>
        %dma_start3A_439 = arith.constant 0 : i32
        %dma_start3A_440 = tpu.memref_slice %arg6[%add3A_433, %dma_start3A_439] : memref<512x50xi32, #tpu.memory_space<vmem>> -> memref<1x50xi32, #tpu.memory_space<vmem>>
        %dma_start3A_441 = tpu.memref_squeeze %dma_start3A_440 : memref<1x50xi32, #tpu.memory_space<vmem>> -> memref<50xi32, #tpu.memory_space<vmem>>
        %dma_start3A_442 = arith.constant 0 : i32
        %dma_start3A_443 = arith.constant 0 : i32
        %dma_start3A_444 = tpu.memref_slice %arg3[%dma_start3A_442, %dma_start3A_443] : memref<1000000x64xf32, #tpu.memory_space<hbm>> -> memref<1000000x64xf32, #tpu.memory_space<hbm>>
        tpu.enqueue_indirect_dma source(%dma_start3A_444 : memref<1000000x64xf32, #tpu.memory_space<hbm>>) target(%dma_start3A_438 : memref<50x64xf32, #tpu.memory_space<vmem>>) offsets(%dma_start3A_441 : memref<50xi32, #tpu.memory_space<vmem>>) semaphore(%arg10 : memref<!tpu.dma_semaphore, #tpu.memory_space<semaphore_mem>>)
        %mul3A_445 = arith.constant 8 : i32
        %mul3A_446 = arith.muli %add3A_369, %mul3A_445 : i32
        %add3A_447 = arith.constant 5 : i32
        %add3A_448 = arith.addi %mul3A_446, %add3A_447 : i32
        %dma_start3A_449 = arith.constant 5 : i32
        %dma_start3A_450 = arith.constant 0 : i32
        %dma_start3A_451 = arith.constant 0 : i32
        %dma_start3A_452 = tpu.memref_slice %arg8[%dma_start3A_449, %dma_start3A_450, %dma_start3A_451] : memref<8x50x64xf32, #tpu.memory_space<vmem>> -> memref<1x50x64xf32, #tpu.memory_space<vmem>>
        %dma_start3A_453 = tpu.memref_squeeze %dma_start3A_452 : memref<1x50x64xf32, #tpu.memory_space<vmem>> -> memref<50x64xf32, #tpu.memory_space<vmem>>
        %dma_start3A_454 = arith.constant 0 : i32
        %dma_start3A_455 = tpu.memref_slice %arg6[%add3A_448, %dma_start3A_454] : memref<512x50xi32, #tpu.memory_space<vmem>> -> memref<1x50xi32, #tpu.memory_space<vmem>>
        %dma_start3A_456 = tpu.memref_squeeze %dma_start3A_455 : memref<1x50xi32, #tpu.memory_space<vmem>> -> memref<50xi32, #tpu.memory_space<vmem>>
        %dma_start3A_457 = arith.constant 0 : i32
        %dma_start3A_458 = arith.constant 0 : i32
        %dma_start3A_459 = tpu.memref_slice %arg3[%dma_start3A_457, %dma_start3A_458] : memref<1000000x64xf32, #tpu.memory_space<hbm>> -> memref<1000000x64xf32, #tpu.memory_space<hbm>>
        tpu.enqueue_indirect_dma source(%dma_start3A_459 : memref<1000000x64xf32, #tpu.memory_space<hbm>>) target(%dma_start3A_453 : memref<50x64xf32, #tpu.memory_space<vmem>>) offsets(%dma_start3A_456 : memref<50xi32, #tpu.memory_space<vmem>>) semaphore(%arg10 : memref<!tpu.dma_semaphore, #tpu.memory_space<semaphore_mem>>)
        %mul3A_460 = arith.constant 8 : i32
        %mul3A_461 = arith.muli %add3A_369, %mul3A_460 : i32
        %add3A_462 = arith.constant 6 : i32
        %add3A_463 = arith.addi %mul3A_461, %add3A_462 : i32
        %dma_start3A_464 = arith.constant 6 : i32
        %dma_start3A_465 = arith.constant 0 : i32
        %dma_start3A_466 = arith.constant 0 : i32
        %dma_start3A_467 = tpu.memref_slice %arg8[%dma_start3A_464, %dma_start3A_465, %dma_start3A_466] : memref<8x50x64xf32, #tpu.memory_space<vmem>> -> memref<1x50x64xf32, #tpu.memory_space<vmem>>
        %dma_start3A_468 = tpu.memref_squeeze %dma_start3A_467 : memref<1x50x64xf32, #tpu.memory_space<vmem>> -> memref<50x64xf32, #tpu.memory_space<vmem>>
        %dma_start3A_469 = arith.constant 0 : i32
        %dma_start3A_470 = tpu.memref_slice %arg6[%add3A_463, %dma_start3A_469] : memref<512x50xi32, #tpu.memory_space<vmem>> -> memref<1x50xi32, #tpu.memory_space<vmem>>
        %dma_start3A_471 = tpu.memref_squeeze %dma_start3A_470 : memref<1x50xi32, #tpu.memory_space<vmem>> -> memref<50xi32, #tpu.memory_space<vmem>>
        %dma_start3A_472 = arith.constant 0 : i32
        %dma_start3A_473 = arith.constant 0 : i32
        %dma_start3A_474 = tpu.memref_slice %arg3[%dma_start3A_472, %dma_start3A_473] : memref<1000000x64xf32, #tpu.memory_space<hbm>> -> memref<1000000x64xf32, #tpu.memory_space<hbm>>
        tpu.enqueue_indirect_dma source(%dma_start3A_474 : memref<1000000x64xf32, #tpu.memory_space<hbm>>) target(%dma_start3A_468 : memref<50x64xf32, #tpu.memory_space<vmem>>) offsets(%dma_start3A_471 : memref<50xi32, #tpu.memory_space<vmem>>) semaphore(%arg10 : memref<!tpu.dma_semaphore, #tpu.memory_space<semaphore_mem>>)
        %mul3A_475 = arith.constant 8 : i32
        %mul3A_476 = arith.muli %add3A_369, %mul3A_475 : i32
        %add3A_477 = arith.constant 7 : i32
        %add3A_478 = arith.addi %mul3A_476, %add3A_477 : i32
        %dma_start3A_479 = arith.constant 7 : i32
        %dma_start3A_480 = arith.constant 0 : i32
        %dma_start3A_481 = arith.constant 0 : i32
        %dma_start3A_482 = tpu.memref_slice %arg8[%dma_start3A_479, %dma_start3A_480, %dma_start3A_481] : memref<8x50x64xf32, #tpu.memory_space<vmem>> -> memref<1x50x64xf32, #tpu.memory_space<vmem>>
        %dma_start3A_483 = tpu.memref_squeeze %dma_start3A_482 : memref<1x50x64xf32, #tpu.memory_space<vmem>> -> memref<50x64xf32, #tpu.memory_space<vmem>>
        %dma_start3A_484 = arith.constant 0 : i32
        %dma_start3A_485 = tpu.memref_slice %arg6[%add3A_478, %dma_start3A_484] : memref<512x50xi32, #tpu.memory_space<vmem>> -> memref<1x50xi32, #tpu.memory_space<vmem>>
        %dma_start3A_486 = tpu.memref_squeeze %dma_start3A_485 : memref<1x50xi32, #tpu.memory_space<vmem>> -> memref<50xi32, #tpu.memory_space<vmem>>
        %dma_start3A_487 = arith.constant 0 : i32
        %dma_start3A_488 = arith.constant 0 : i32
        %dma_start3A_489 = tpu.memref_slice %arg3[%dma_start3A_487, %dma_start3A_488] : memref<1000000x64xf32, #tpu.memory_space<hbm>> -> memref<1000000x64xf32, #tpu.memory_space<hbm>>
        tpu.enqueue_indirect_dma source(%dma_start3A_489 : memref<1000000x64xf32, #tpu.memory_space<hbm>>) target(%dma_start3A_483 : memref<50x64xf32, #tpu.memory_space<vmem>>) offsets(%dma_start3A_486 : memref<50xi32, #tpu.memory_space<vmem>>) semaphore(%arg10 : memref<!tpu.dma_semaphore, #tpu.memory_space<semaphore_mem>>)
      } else {
      }
      %dma_wait3A = arith.constant 0 : i32
      %dma_wait3A_112 = arith.constant 0 : i32
      %dma_wait3A_113 = arith.constant 0 : i32
      %dma_wait3A_114 = tpu.memref_slice %arg7[%dma_wait3A, %dma_wait3A_112, %dma_wait3A_113] : memref<8x50x64xf32, #tpu.memory_space<vmem>> -> memref<1x50x64xf32, #tpu.memory_space<vmem>>
      %dma_wait3A_115 = tpu.memref_squeeze %dma_wait3A_114 : memref<1x50x64xf32, #tpu.memory_space<vmem>> -> memref<50x64xf32, #tpu.memory_space<vmem>>
      %dma_wait3A_116 = arith.constant 0 : i32
      %dma_wait3A_117 = arith.constant 0 : i32
      %dma_wait3A_118 = tpu.memref_slice %arg3[%dma_wait3A_116, %dma_wait3A_117] : memref<1000000x64xf32, #tpu.memory_space<hbm>> -> memref<50x64xf32, #tpu.memory_space<hbm>>
      %dma_wait3A_119 = arith.constant 0 : i32
      %dma_wait3A_120 = arith.constant 0 : i32
      %dma_wait3A_121 = tpu.memref_slice %arg7[%dma_wait3A, %dma_wait3A_119, %dma_wait3A_120] : memref<8x50x64xf32, #tpu.memory_space<vmem>> -> memref<1x50x64xf32, #tpu.memory_space<vmem>>
      %dma_wait3A_122 = tpu.memref_squeeze %dma_wait3A_121 : memref<1x50x64xf32, #tpu.memory_space<vmem>> -> memref<50x64xf32, #tpu.memory_space<vmem>>
      %dma_wait3A_123 = arith.constant 0 : i32
      %dma_wait3A_124 = arith.constant 0 : i32
      %dma_wait3A_125 = tpu.memref_slice %arg3[%dma_wait3A_123, %dma_wait3A_124] : memref<1000000x64xf32, #tpu.memory_space<hbm>> -> memref<50x64xf32, #tpu.memory_space<hbm>>
      tpu.wait_dma2 semaphore(%arg9 : memref<!tpu.dma_semaphore, #tpu.memory_space<semaphore_mem>>) src(%dma_wait3A_125 : memref<50x64xf32, #tpu.memory_space<hbm>>) dst(%dma_wait3A_122 : memref<50x64xf32, #tpu.memory_space<vmem>>)
      %dma_wait3A_126 = arith.constant 1 : i32
      %dma_wait3A_127 = arith.constant 0 : i32
      %dma_wait3A_128 = arith.constant 0 : i32
      %dma_wait3A_129 = tpu.memref_slice %arg7[%dma_wait3A_126, %dma_wait3A_127, %dma_wait3A_128] : memref<8x50x64xf32, #tpu.memory_space<vmem>> -> memref<1x50x64xf32, #tpu.memory_space<vmem>>
      %dma_wait3A_130 = tpu.memref_squeeze %dma_wait3A_129 : memref<1x50x64xf32, #tpu.memory_space<vmem>> -> memref<50x64xf32, #tpu.memory_space<vmem>>
      %dma_wait3A_131 = arith.constant 0 : i32
      %dma_wait3A_132 = arith.constant 0 : i32
      %dma_wait3A_133 = tpu.memref_slice %arg3[%dma_wait3A_131, %dma_wait3A_132] : memref<1000000x64xf32, #tpu.memory_space<hbm>> -> memref<50x64xf32, #tpu.memory_space<hbm>>
      %dma_wait3A_134 = arith.constant 0 : i32
      %dma_wait3A_135 = arith.constant 0 : i32
      %dma_wait3A_136 = tpu.memref_slice %arg7[%dma_wait3A_126, %dma_wait3A_134, %dma_wait3A_135] : memref<8x50x64xf32, #tpu.memory_space<vmem>> -> memref<1x50x64xf32, #tpu.memory_space<vmem>>
      %dma_wait3A_137 = tpu.memref_squeeze %dma_wait3A_136 : memref<1x50x64xf32, #tpu.memory_space<vmem>> -> memref<50x64xf32, #tpu.memory_space<vmem>>
      %dma_wait3A_138 = arith.constant 0 : i32
      %dma_wait3A_139 = arith.constant 0 : i32
      %dma_wait3A_140 = tpu.memref_slice %arg3[%dma_wait3A_138, %dma_wait3A_139] : memref<1000000x64xf32, #tpu.memory_space<hbm>> -> memref<50x64xf32, #tpu.memory_space<hbm>>
      tpu.wait_dma2 semaphore(%arg9 : memref<!tpu.dma_semaphore, #tpu.memory_space<semaphore_mem>>) src(%dma_wait3A_140 : memref<50x64xf32, #tpu.memory_space<hbm>>) dst(%dma_wait3A_137 : memref<50x64xf32, #tpu.memory_space<vmem>>)
      %dma_wait3A_141 = arith.constant 2 : i32
      %dma_wait3A_142 = arith.constant 0 : i32
      %dma_wait3A_143 = arith.constant 0 : i32
      %dma_wait3A_144 = tpu.memref_slice %arg7[%dma_wait3A_141, %dma_wait3A_142, %dma_wait3A_143] : memref<8x50x64xf32, #tpu.memory_space<vmem>> -> memref<1x50x64xf32, #tpu.memory_space<vmem>>
      %dma_wait3A_145 = tpu.memref_squeeze %dma_wait3A_144 : memref<1x50x64xf32, #tpu.memory_space<vmem>> -> memref<50x64xf32, #tpu.memory_space<vmem>>
      %dma_wait3A_146 = arith.constant 0 : i32
      %dma_wait3A_147 = arith.constant 0 : i32
      %dma_wait3A_148 = tpu.memref_slice %arg3[%dma_wait3A_146, %dma_wait3A_147] : memref<1000000x64xf32, #tpu.memory_space<hbm>> -> memref<50x64xf32, #tpu.memory_space<hbm>>
      %dma_wait3A_149 = arith.constant 0 : i32
      %dma_wait3A_150 = arith.constant 0 : i32
      %dma_wait3A_151 = tpu.memref_slice %arg7[%dma_wait3A_141, %dma_wait3A_149, %dma_wait3A_150] : memref<8x50x64xf32, #tpu.memory_space<vmem>> -> memref<1x50x64xf32, #tpu.memory_space<vmem>>
      %dma_wait3A_152 = tpu.memref_squeeze %dma_wait3A_151 : memref<1x50x64xf32, #tpu.memory_space<vmem>> -> memref<50x64xf32, #tpu.memory_space<vmem>>
      %dma_wait3A_153 = arith.constant 0 : i32
      %dma_wait3A_154 = arith.constant 0 : i32
      %dma_wait3A_155 = tpu.memref_slice %arg3[%dma_wait3A_153, %dma_wait3A_154] : memref<1000000x64xf32, #tpu.memory_space<hbm>> -> memref<50x64xf32, #tpu.memory_space<hbm>>
      tpu.wait_dma2 semaphore(%arg9 : memref<!tpu.dma_semaphore, #tpu.memory_space<semaphore_mem>>) src(%dma_wait3A_155 : memref<50x64xf32, #tpu.memory_space<hbm>>) dst(%dma_wait3A_152 : memref<50x64xf32, #tpu.memory_space<vmem>>)
      %dma_wait3A_156 = arith.constant 3 : i32
      %dma_wait3A_157 = arith.constant 0 : i32
      %dma_wait3A_158 = arith.constant 0 : i32
      %dma_wait3A_159 = tpu.memref_slice %arg7[%dma_wait3A_156, %dma_wait3A_157, %dma_wait3A_158] : memref<8x50x64xf32, #tpu.memory_space<vmem>> -> memref<1x50x64xf32, #tpu.memory_space<vmem>>
      %dma_wait3A_160 = tpu.memref_squeeze %dma_wait3A_159 : memref<1x50x64xf32, #tpu.memory_space<vmem>> -> memref<50x64xf32, #tpu.memory_space<vmem>>
      %dma_wait3A_161 = arith.constant 0 : i32
      %dma_wait3A_162 = arith.constant 0 : i32
      %dma_wait3A_163 = tpu.memref_slice %arg3[%dma_wait3A_161, %dma_wait3A_162] : memref<1000000x64xf32, #tpu.memory_space<hbm>> -> memref<50x64xf32, #tpu.memory_space<hbm>>
      %dma_wait3A_164 = arith.constant 0 : i32
      %dma_wait3A_165 = arith.constant 0 : i32
      %dma_wait3A_166 = tpu.memref_slice %arg7[%dma_wait3A_156, %dma_wait3A_164, %dma_wait3A_165] : memref<8x50x64xf32, #tpu.memory_space<vmem>> -> memref<1x50x64xf32, #tpu.memory_space<vmem>>
      %dma_wait3A_167 = tpu.memref_squeeze %dma_wait3A_166 : memref<1x50x64xf32, #tpu.memory_space<vmem>> -> memref<50x64xf32, #tpu.memory_space<vmem>>
      %dma_wait3A_168 = arith.constant 0 : i32
      %dma_wait3A_169 = arith.constant 0 : i32
      %dma_wait3A_170 = tpu.memref_slice %arg3[%dma_wait3A_168, %dma_wait3A_169] : memref<1000000x64xf32, #tpu.memory_space<hbm>> -> memref<50x64xf32, #tpu.memory_space<hbm>>
      tpu.wait_dma2 semaphore(%arg9 : memref<!tpu.dma_semaphore, #tpu.memory_space<semaphore_mem>>) src(%dma_wait3A_170 : memref<50x64xf32, #tpu.memory_space<hbm>>) dst(%dma_wait3A_167 : memref<50x64xf32, #tpu.memory_space<vmem>>)
      %dma_wait3A_171 = arith.constant 4 : i32
      %dma_wait3A_172 = arith.constant 0 : i32
      %dma_wait3A_173 = arith.constant 0 : i32
      %dma_wait3A_174 = tpu.memref_slice %arg7[%dma_wait3A_171, %dma_wait3A_172, %dma_wait3A_173] : memref<8x50x64xf32, #tpu.memory_space<vmem>> -> memref<1x50x64xf32, #tpu.memory_space<vmem>>
      %dma_wait3A_175 = tpu.memref_squeeze %dma_wait3A_174 : memref<1x50x64xf32, #tpu.memory_space<vmem>> -> memref<50x64xf32, #tpu.memory_space<vmem>>
      %dma_wait3A_176 = arith.constant 0 : i32
      %dma_wait3A_177 = arith.constant 0 : i32
      %dma_wait3A_178 = tpu.memref_slice %arg3[%dma_wait3A_176, %dma_wait3A_177] : memref<1000000x64xf32, #tpu.memory_space<hbm>> -> memref<50x64xf32, #tpu.memory_space<hbm>>
      %dma_wait3A_179 = arith.constant 0 : i32
      %dma_wait3A_180 = arith.constant 0 : i32
      %dma_wait3A_181 = tpu.memref_slice %arg7[%dma_wait3A_171, %dma_wait3A_179, %dma_wait3A_180] : memref<8x50x64xf32, #tpu.memory_space<vmem>> -> memref<1x50x64xf32, #tpu.memory_space<vmem>>
      %dma_wait3A_182 = tpu.memref_squeeze %dma_wait3A_181 : memref<1x50x64xf32, #tpu.memory_space<vmem>> -> memref<50x64xf32, #tpu.memory_space<vmem>>
      %dma_wait3A_183 = arith.constant 0 : i32
      %dma_wait3A_184 = arith.constant 0 : i32
      %dma_wait3A_185 = tpu.memref_slice %arg3[%dma_wait3A_183, %dma_wait3A_184] : memref<1000000x64xf32, #tpu.memory_space<hbm>> -> memref<50x64xf32, #tpu.memory_space<hbm>>
      tpu.wait_dma2 semaphore(%arg9 : memref<!tpu.dma_semaphore, #tpu.memory_space<semaphore_mem>>) src(%dma_wait3A_185 : memref<50x64xf32, #tpu.memory_space<hbm>>) dst(%dma_wait3A_182 : memref<50x64xf32, #tpu.memory_space<vmem>>)
      %dma_wait3A_186 = arith.constant 5 : i32
      %dma_wait3A_187 = arith.constant 0 : i32
      %dma_wait3A_188 = arith.constant 0 : i32
      %dma_wait3A_189 = tpu.memref_slice %arg7[%dma_wait3A_186, %dma_wait3A_187, %dma_wait3A_188] : memref<8x50x64xf32, #tpu.memory_space<vmem>> -> memref<1x50x64xf32, #tpu.memory_space<vmem>>
      %dma_wait3A_190 = tpu.memref_squeeze %dma_wait3A_189 : memref<1x50x64xf32, #tpu.memory_space<vmem>> -> memref<50x64xf32, #tpu.memory_space<vmem>>
      %dma_wait3A_191 = arith.constant 0 : i32
      %dma_wait3A_192 = arith.constant 0 : i32
      %dma_wait3A_193 = tpu.memref_slice %arg3[%dma_wait3A_191, %dma_wait3A_192] : memref<1000000x64xf32, #tpu.memory_space<hbm>> -> memref<50x64xf32, #tpu.memory_space<hbm>>
      %dma_wait3A_194 = arith.constant 0 : i32
      %dma_wait3A_195 = arith.constant 0 : i32
      %dma_wait3A_196 = tpu.memref_slice %arg7[%dma_wait3A_186, %dma_wait3A_194, %dma_wait3A_195] : memref<8x50x64xf32, #tpu.memory_space<vmem>> -> memref<1x50x64xf32, #tpu.memory_space<vmem>>
      %dma_wait3A_197 = tpu.memref_squeeze %dma_wait3A_196 : memref<1x50x64xf32, #tpu.memory_space<vmem>> -> memref<50x64xf32, #tpu.memory_space<vmem>>
      %dma_wait3A_198 = arith.constant 0 : i32
      %dma_wait3A_199 = arith.constant 0 : i32
      %dma_wait3A_200 = tpu.memref_slice %arg3[%dma_wait3A_198, %dma_wait3A_199] : memref<1000000x64xf32, #tpu.memory_space<hbm>> -> memref<50x64xf32, #tpu.memory_space<hbm>>
      tpu.wait_dma2 semaphore(%arg9 : memref<!tpu.dma_semaphore, #tpu.memory_space<semaphore_mem>>) src(%dma_wait3A_200 : memref<50x64xf32, #tpu.memory_space<hbm>>) dst(%dma_wait3A_197 : memref<50x64xf32, #tpu.memory_space<vmem>>)
      %dma_wait3A_201 = arith.constant 6 : i32
      %dma_wait3A_202 = arith.constant 0 : i32
      %dma_wait3A_203 = arith.constant 0 : i32
      %dma_wait3A_204 = tpu.memref_slice %arg7[%dma_wait3A_201, %dma_wait3A_202, %dma_wait3A_203] : memref<8x50x64xf32, #tpu.memory_space<vmem>> -> memref<1x50x64xf32, #tpu.memory_space<vmem>>
      %dma_wait3A_205 = tpu.memref_squeeze %dma_wait3A_204 : memref<1x50x64xf32, #tpu.memory_space<vmem>> -> memref<50x64xf32, #tpu.memory_space<vmem>>
      %dma_wait3A_206 = arith.constant 0 : i32
      %dma_wait3A_207 = arith.constant 0 : i32
      %dma_wait3A_208 = tpu.memref_slice %arg3[%dma_wait3A_206, %dma_wait3A_207] : memref<1000000x64xf32, #tpu.memory_space<hbm>> -> memref<50x64xf32, #tpu.memory_space<hbm>>
      %dma_wait3A_209 = arith.constant 0 : i32
      %dma_wait3A_210 = arith.constant 0 : i32
      %dma_wait3A_211 = tpu.memref_slice %arg7[%dma_wait3A_201, %dma_wait3A_209, %dma_wait3A_210] : memref<8x50x64xf32, #tpu.memory_space<vmem>> -> memref<1x50x64xf32, #tpu.memory_space<vmem>>
      %dma_wait3A_212 = tpu.memref_squeeze %dma_wait3A_211 : memref<1x50x64xf32, #tpu.memory_space<vmem>> -> memref<50x64xf32, #tpu.memory_space<vmem>>
      %dma_wait3A_213 = arith.constant 0 : i32
      %dma_wait3A_214 = arith.constant 0 : i32
      %dma_wait3A_215 = tpu.memref_slice %arg3[%dma_wait3A_213, %dma_wait3A_214] : memref<1000000x64xf32, #tpu.memory_space<hbm>> -> memref<50x64xf32, #tpu.memory_space<hbm>>
      tpu.wait_dma2 semaphore(%arg9 : memref<!tpu.dma_semaphore, #tpu.memory_space<semaphore_mem>>) src(%dma_wait3A_215 : memref<50x64xf32, #tpu.memory_space<hbm>>) dst(%dma_wait3A_212 : memref<50x64xf32, #tpu.memory_space<vmem>>)
      %dma_wait3A_216 = arith.constant 7 : i32
      %dma_wait3A_217 = arith.constant 0 : i32
      %dma_wait3A_218 = arith.constant 0 : i32
      %dma_wait3A_219 = tpu.memref_slice %arg7[%dma_wait3A_216, %dma_wait3A_217, %dma_wait3A_218] : memref<8x50x64xf32, #tpu.memory_space<vmem>> -> memref<1x50x64xf32, #tpu.memory_space<vmem>>
      %dma_wait3A_220 = tpu.memref_squeeze %dma_wait3A_219 : memref<1x50x64xf32, #tpu.memory_space<vmem>> -> memref<50x64xf32, #tpu.memory_space<vmem>>
      %dma_wait3A_221 = arith.constant 0 : i32
      %dma_wait3A_222 = arith.constant 0 : i32
      %dma_wait3A_223 = tpu.memref_slice %arg3[%dma_wait3A_221, %dma_wait3A_222] : memref<1000000x64xf32, #tpu.memory_space<hbm>> -> memref<50x64xf32, #tpu.memory_space<hbm>>
      %dma_wait3A_224 = arith.constant 0 : i32
      %dma_wait3A_225 = arith.constant 0 : i32
      %dma_wait3A_226 = tpu.memref_slice %arg7[%dma_wait3A_216, %dma_wait3A_224, %dma_wait3A_225] : memref<8x50x64xf32, #tpu.memory_space<vmem>> -> memref<1x50x64xf32, #tpu.memory_space<vmem>>
      %dma_wait3A_227 = tpu.memref_squeeze %dma_wait3A_226 : memref<1x50x64xf32, #tpu.memory_space<vmem>> -> memref<50x64xf32, #tpu.memory_space<vmem>>
      %dma_wait3A_228 = arith.constant 0 : i32
      %dma_wait3A_229 = arith.constant 0 : i32
      %dma_wait3A_230 = tpu.memref_slice %arg3[%dma_wait3A_228, %dma_wait3A_229] : memref<1000000x64xf32, #tpu.memory_space<hbm>> -> memref<50x64xf32, #tpu.memory_space<hbm>>
      tpu.wait_dma2 semaphore(%arg9 : memref<!tpu.dma_semaphore, #tpu.memory_space<semaphore_mem>>) src(%dma_wait3A_230 : memref<50x64xf32, #tpu.memory_space<hbm>>) dst(%dma_wait3A_227 : memref<50x64xf32, #tpu.memory_space<vmem>>)
      %mul3A_231 = arith.constant 8 : i32
      %mul3A_232 = arith.muli %add3A_107, %mul3A_231 : i32
      %add3A_233 = arith.addi %mul3A_2, %mul3A_232 : i32
      "tpu.region"() ({
        %run_scoped3A = tpu.sem_alloc : memref<!tpu.dma_semaphore, #tpu.memory_space<semaphore_mem>>
        %dma_start3A_368 = arith.constant 0 : i32
        %dma_start3A_369 = arith.constant 0 : i32
        %dma_start3A_370 = arith.constant 0 : i32
        %dma_start3A_371 = tpu.memref_slice %arg7[%dma_start3A_368, %dma_start3A_369, %dma_start3A_370] : memref<8x50x64xf32, #tpu.memory_space<vmem>> -> memref<8x25x64xf32, #tpu.memory_space<vmem>>
        %dma_start3A_372 = arith.constant 0 : i32
        %dma_start3A_373 = arith.constant 0 : i32
        %dma_start3A_374 = tpu.memref_slice %arg4[%add3A_233, %dma_start3A_372, %dma_start3A_373] : memref<16384x25x64xf32, #tpu.memory_space<hbm>> -> memref<8x25x64xf32, #tpu.memory_space<hbm>>
        %dma_start3A_375 = arith.constant 0 : i32
        %dma_start3A_376 = arith.constant 0 : i32
        %dma_start3A_377 = tpu.memref_slice %arg4[%add3A_233, %dma_start3A_375, %dma_start3A_376] : memref<16384x25x64xf32, #tpu.memory_space<hbm>> -> memref<8x25x64xf32, #tpu.memory_space<hbm>>
        %dma_start3A_378 = arith.constant 0 : i32
        %dma_start3A_379 = arith.constant 0 : i32
        %dma_start3A_380 = arith.constant 0 : i32
        %dma_start3A_381 = tpu.memref_slice %arg7[%dma_start3A_378, %dma_start3A_379, %dma_start3A_380] : memref<8x50x64xf32, #tpu.memory_space<vmem>> -> memref<8x25x64xf32, #tpu.memory_space<vmem>>
        tpu.enqueue_dma source(%dma_start3A_381 : memref<8x25x64xf32, #tpu.memory_space<vmem>>) target(%dma_start3A_377 : memref<8x25x64xf32, #tpu.memory_space<hbm>>) target_semaphore(%run_scoped3A : memref<!tpu.dma_semaphore, #tpu.memory_space<semaphore_mem>>)
        %dma_wait3A_382 = arith.constant 0 : i32
        %dma_wait3A_383 = arith.constant 0 : i32
        %dma_wait3A_384 = arith.constant 0 : i32
        %dma_wait3A_385 = tpu.memref_slice %arg7[%dma_wait3A_382, %dma_wait3A_383, %dma_wait3A_384] : memref<8x50x64xf32, #tpu.memory_space<vmem>> -> memref<8x25x64xf32, #tpu.memory_space<vmem>>
        %dma_wait3A_386 = arith.constant 0 : i32
        %dma_wait3A_387 = arith.constant 0 : i32
        %dma_wait3A_388 = tpu.memref_slice %arg4[%add3A_233, %dma_wait3A_386, %dma_wait3A_387] : memref<16384x25x64xf32, #tpu.memory_space<hbm>> -> memref<8x25x64xf32, #tpu.memory_space<hbm>>
        %dma_wait3A_389 = arith.constant 0 : i32
        %dma_wait3A_390 = arith.constant 0 : i32
        %dma_wait3A_391 = tpu.memref_slice %arg4[%add3A_233, %dma_wait3A_389, %dma_wait3A_390] : memref<16384x25x64xf32, #tpu.memory_space<hbm>> -> memref<8x25x64xf32, #tpu.memory_space<hbm>>
        %dma_wait3A_392 = arith.constant 0 : i32
        %dma_wait3A_393 = arith.constant 0 : i32
        %dma_wait3A_394 = arith.constant 0 : i32
        %dma_wait3A_395 = tpu.memref_slice %arg7[%dma_wait3A_392, %dma_wait3A_393, %dma_wait3A_394] : memref<8x50x64xf32, #tpu.memory_space<vmem>> -> memref<8x25x64xf32, #tpu.memory_space<vmem>>
        tpu.wait_dma2 semaphore(%run_scoped3A : memref<!tpu.dma_semaphore, #tpu.memory_space<semaphore_mem>>) src(%dma_wait3A_395 : memref<8x25x64xf32, #tpu.memory_space<vmem>>) dst(%dma_wait3A_391 : memref<8x25x64xf32, #tpu.memory_space<hbm>>)
        tpu.yield
      }) : () -> ()
      "tpu.region"() ({
        %run_scoped3A = tpu.sem_alloc : memref<!tpu.dma_semaphore, #tpu.memory_space<semaphore_mem>>
        %dma_start3A_368 = arith.constant 0 : i32
        %dma_start3A_369 = arith.constant 25 : i32
        %dma_start3A_370 = arith.constant 0 : i32
        %dma_start3A_371 = tpu.memref_slice %arg7[%dma_start3A_368, %dma_start3A_369, %dma_start3A_370] : memref<8x50x64xf32, #tpu.memory_space<vmem>> -> memref<8x25x64xf32, #tpu.memory_space<vmem>>
        %dma_start3A_372 = arith.constant 0 : i32
        %dma_start3A_373 = arith.constant 0 : i32
        %dma_start3A_374 = tpu.memref_slice %arg5[%add3A_233, %dma_start3A_372, %dma_start3A_373] : memref<16384x25x64xf32, #tpu.memory_space<hbm>> -> memref<8x25x64xf32, #tpu.memory_space<hbm>>
        %dma_start3A_375 = arith.constant 0 : i32
        %dma_start3A_376 = arith.constant 0 : i32
        %dma_start3A_377 = tpu.memref_slice %arg5[%add3A_233, %dma_start3A_375, %dma_start3A_376] : memref<16384x25x64xf32, #tpu.memory_space<hbm>> -> memref<8x25x64xf32, #tpu.memory_space<hbm>>
        %dma_start3A_378 = arith.constant 0 : i32
        %dma_start3A_379 = arith.constant 25 : i32
        %dma_start3A_380 = arith.constant 0 : i32
        %dma_start3A_381 = tpu.memref_slice %arg7[%dma_start3A_378, %dma_start3A_379, %dma_start3A_380] : memref<8x50x64xf32, #tpu.memory_space<vmem>> -> memref<8x25x64xf32, #tpu.memory_space<vmem>>
        tpu.enqueue_dma source(%dma_start3A_381 : memref<8x25x64xf32, #tpu.memory_space<vmem>>) target(%dma_start3A_377 : memref<8x25x64xf32, #tpu.memory_space<hbm>>) target_semaphore(%run_scoped3A : memref<!tpu.dma_semaphore, #tpu.memory_space<semaphore_mem>>)
        %dma_wait3A_382 = arith.constant 0 : i32
        %dma_wait3A_383 = arith.constant 25 : i32
        %dma_wait3A_384 = arith.constant 0 : i32
        %dma_wait3A_385 = tpu.memref_slice %arg7[%dma_wait3A_382, %dma_wait3A_383, %dma_wait3A_384] : memref<8x50x64xf32, #tpu.memory_space<vmem>> -> memref<8x25x64xf32, #tpu.memory_space<vmem>>
        %dma_wait3A_386 = arith.constant 0 : i32
        %dma_wait3A_387 = arith.constant 0 : i32
        %dma_wait3A_388 = tpu.memref_slice %arg5[%add3A_233, %dma_wait3A_386, %dma_wait3A_387] : memref<16384x25x64xf32, #tpu.memory_space<hbm>> -> memref<8x25x64xf32, #tpu.memory_space<hbm>>
        %dma_wait3A_389 = arith.constant 0 : i32
        %dma_wait3A_390 = arith.constant 0 : i32
        %dma_wait3A_391 = tpu.memref_slice %arg5[%add3A_233, %dma_wait3A_389, %dma_wait3A_390] : memref<16384x25x64xf32, #tpu.memory_space<hbm>> -> memref<8x25x64xf32, #tpu.memory_space<hbm>>
        %dma_wait3A_392 = arith.constant 0 : i32
        %dma_wait3A_393 = arith.constant 25 : i32
        %dma_wait3A_394 = arith.constant 0 : i32
        %dma_wait3A_395 = tpu.memref_slice %arg7[%dma_wait3A_392, %dma_wait3A_393, %dma_wait3A_394] : memref<8x50x64xf32, #tpu.memory_space<vmem>> -> memref<8x25x64xf32, #tpu.memory_space<vmem>>
        tpu.wait_dma2 semaphore(%run_scoped3A : memref<!tpu.dma_semaphore, #tpu.memory_space<semaphore_mem>>) src(%dma_wait3A_395 : memref<8x25x64xf32, #tpu.memory_space<vmem>>) dst(%dma_wait3A_391 : memref<8x25x64xf32, #tpu.memory_space<hbm>>)
        tpu.yield
      }) : () -> ()
      %mul3A_234 = arith.constant 2 : i32
      %mul3A_235 = arith.muli %mul3A_234, %scan3A_103 : i32
      %add3A_236 = arith.constant 1 : i32
      %add3A_237 = arith.addi %mul3A_235, %add3A_236 : i32
      %add3A_238 = arith.constant 1 : i32
      %add3A_239 = arith.addi %add3A_237, %add3A_238 : i32
      %lt3A_240 = arith.constant 64 : i32
      %lt3A_241 = arith.cmpi slt, %add3A_239, %lt3A_240 : i32
      %convert_element_type3A_242 = arith.extui %lt3A_241 : i1 to i32
      %cond3A_243 = arith.constant 0 : i32
      %cond3A_244 = arith.cmpi ne, %convert_element_type3A_242, %cond3A_243 : i32
      scf.if %cond3A_244 {
        %add3A_368 = arith.constant 1 : i32
        %add3A_369 = arith.addi %add3A_237, %add3A_368 : i32
        %mul3A_370 = arith.constant 8 : i32
        %mul3A_371 = arith.muli %add3A_369, %mul3A_370 : i32
        %add3A_372 = arith.constant 0 : i32
        %add3A_373 = arith.addi %mul3A_371, %add3A_372 : i32
        %dma_start3A_374 = arith.constant 0 : i32
        %dma_start3A_375 = arith.constant 0 : i32
        %dma_start3A_376 = arith.constant 0 : i32
        %dma_start3A_377 = tpu.memref_slice %arg7[%dma_start3A_374, %dma_start3A_375, %dma_start3A_376] : memref<8x50x64xf32, #tpu.memory_space<vmem>> -> memref<1x50x64xf32, #tpu.memory_space<vmem>>
        %dma_start3A_378 = tpu.memref_squeeze %dma_start3A_377 : memref<1x50x64xf32, #tpu.memory_space<vmem>> -> memref<50x64xf32, #tpu.memory_space<vmem>>
        %dma_start3A_379 = arith.constant 0 : i32
        %dma_start3A_380 = tpu.memref_slice %arg6[%add3A_373, %dma_start3A_379] : memref<512x50xi32, #tpu.memory_space<vmem>> -> memref<1x50xi32, #tpu.memory_space<vmem>>
        %dma_start3A_381 = tpu.memref_squeeze %dma_start3A_380 : memref<1x50xi32, #tpu.memory_space<vmem>> -> memref<50xi32, #tpu.memory_space<vmem>>
        %dma_start3A_382 = arith.constant 0 : i32
        %dma_start3A_383 = arith.constant 0 : i32
        %dma_start3A_384 = tpu.memref_slice %arg3[%dma_start3A_382, %dma_start3A_383] : memref<1000000x64xf32, #tpu.memory_space<hbm>> -> memref<1000000x64xf32, #tpu.memory_space<hbm>>
        tpu.enqueue_indirect_dma source(%dma_start3A_384 : memref<1000000x64xf32, #tpu.memory_space<hbm>>) target(%dma_start3A_378 : memref<50x64xf32, #tpu.memory_space<vmem>>) offsets(%dma_start3A_381 : memref<50xi32, #tpu.memory_space<vmem>>) semaphore(%arg9 : memref<!tpu.dma_semaphore, #tpu.memory_space<semaphore_mem>>)
        %mul3A_385 = arith.constant 8 : i32
        %mul3A_386 = arith.muli %add3A_369, %mul3A_385 : i32
        %add3A_387 = arith.constant 1 : i32
        %add3A_388 = arith.addi %mul3A_386, %add3A_387 : i32
        %dma_start3A_389 = arith.constant 1 : i32
        %dma_start3A_390 = arith.constant 0 : i32
        %dma_start3A_391 = arith.constant 0 : i32
        %dma_start3A_392 = tpu.memref_slice %arg7[%dma_start3A_389, %dma_start3A_390, %dma_start3A_391] : memref<8x50x64xf32, #tpu.memory_space<vmem>> -> memref<1x50x64xf32, #tpu.memory_space<vmem>>
        %dma_start3A_393 = tpu.memref_squeeze %dma_start3A_392 : memref<1x50x64xf32, #tpu.memory_space<vmem>> -> memref<50x64xf32, #tpu.memory_space<vmem>>
        %dma_start3A_394 = arith.constant 0 : i32
        %dma_start3A_395 = tpu.memref_slice %arg6[%add3A_388, %dma_start3A_394] : memref<512x50xi32, #tpu.memory_space<vmem>> -> memref<1x50xi32, #tpu.memory_space<vmem>>
        %dma_start3A_396 = tpu.memref_squeeze %dma_start3A_395 : memref<1x50xi32, #tpu.memory_space<vmem>> -> memref<50xi32, #tpu.memory_space<vmem>>
        %dma_start3A_397 = arith.constant 0 : i32
        %dma_start3A_398 = arith.constant 0 : i32
        %dma_start3A_399 = tpu.memref_slice %arg3[%dma_start3A_397, %dma_start3A_398] : memref<1000000x64xf32, #tpu.memory_space<hbm>> -> memref<1000000x64xf32, #tpu.memory_space<hbm>>
        tpu.enqueue_indirect_dma source(%dma_start3A_399 : memref<1000000x64xf32, #tpu.memory_space<hbm>>) target(%dma_start3A_393 : memref<50x64xf32, #tpu.memory_space<vmem>>) offsets(%dma_start3A_396 : memref<50xi32, #tpu.memory_space<vmem>>) semaphore(%arg9 : memref<!tpu.dma_semaphore, #tpu.memory_space<semaphore_mem>>)
        %mul3A_400 = arith.constant 8 : i32
        %mul3A_401 = arith.muli %add3A_369, %mul3A_400 : i32
        %add3A_402 = arith.constant 2 : i32
        %add3A_403 = arith.addi %mul3A_401, %add3A_402 : i32
        %dma_start3A_404 = arith.constant 2 : i32
        %dma_start3A_405 = arith.constant 0 : i32
        %dma_start3A_406 = arith.constant 0 : i32
        %dma_start3A_407 = tpu.memref_slice %arg7[%dma_start3A_404, %dma_start3A_405, %dma_start3A_406] : memref<8x50x64xf32, #tpu.memory_space<vmem>> -> memref<1x50x64xf32, #tpu.memory_space<vmem>>
        %dma_start3A_408 = tpu.memref_squeeze %dma_start3A_407 : memref<1x50x64xf32, #tpu.memory_space<vmem>> -> memref<50x64xf32, #tpu.memory_space<vmem>>
        %dma_start3A_409 = arith.constant 0 : i32
        %dma_start3A_410 = tpu.memref_slice %arg6[%add3A_403, %dma_start3A_409] : memref<512x50xi32, #tpu.memory_space<vmem>> -> memref<1x50xi32, #tpu.memory_space<vmem>>
        %dma_start3A_411 = tpu.memref_squeeze %dma_start3A_410 : memref<1x50xi32, #tpu.memory_space<vmem>> -> memref<50xi32, #tpu.memory_space<vmem>>
        %dma_start3A_412 = arith.constant 0 : i32
        %dma_start3A_413 = arith.constant 0 : i32
        %dma_start3A_414 = tpu.memref_slice %arg3[%dma_start3A_412, %dma_start3A_413] : memref<1000000x64xf32, #tpu.memory_space<hbm>> -> memref<1000000x64xf32, #tpu.memory_space<hbm>>
        tpu.enqueue_indirect_dma source(%dma_start3A_414 : memref<1000000x64xf32, #tpu.memory_space<hbm>>) target(%dma_start3A_408 : memref<50x64xf32, #tpu.memory_space<vmem>>) offsets(%dma_start3A_411 : memref<50xi32, #tpu.memory_space<vmem>>) semaphore(%arg9 : memref<!tpu.dma_semaphore, #tpu.memory_space<semaphore_mem>>)
        %mul3A_415 = arith.constant 8 : i32
        %mul3A_416 = arith.muli %add3A_369, %mul3A_415 : i32
        %add3A_417 = arith.constant 3 : i32
        %add3A_418 = arith.addi %mul3A_416, %add3A_417 : i32
        %dma_start3A_419 = arith.constant 3 : i32
        %dma_start3A_420 = arith.constant 0 : i32
        %dma_start3A_421 = arith.constant 0 : i32
        %dma_start3A_422 = tpu.memref_slice %arg7[%dma_start3A_419, %dma_start3A_420, %dma_start3A_421] : memref<8x50x64xf32, #tpu.memory_space<vmem>> -> memref<1x50x64xf32, #tpu.memory_space<vmem>>
        %dma_start3A_423 = tpu.memref_squeeze %dma_start3A_422 : memref<1x50x64xf32, #tpu.memory_space<vmem>> -> memref<50x64xf32, #tpu.memory_space<vmem>>
        %dma_start3A_424 = arith.constant 0 : i32
        %dma_start3A_425 = tpu.memref_slice %arg6[%add3A_418, %dma_start3A_424] : memref<512x50xi32, #tpu.memory_space<vmem>> -> memref<1x50xi32, #tpu.memory_space<vmem>>
        %dma_start3A_426 = tpu.memref_squeeze %dma_start3A_425 : memref<1x50xi32, #tpu.memory_space<vmem>> -> memref<50xi32, #tpu.memory_space<vmem>>
        %dma_start3A_427 = arith.constant 0 : i32
        %dma_start3A_428 = arith.constant 0 : i32
        %dma_start3A_429 = tpu.memref_slice %arg3[%dma_start3A_427, %dma_start3A_428] : memref<1000000x64xf32, #tpu.memory_space<hbm>> -> memref<1000000x64xf32, #tpu.memory_space<hbm>>
        tpu.enqueue_indirect_dma source(%dma_start3A_429 : memref<1000000x64xf32, #tpu.memory_space<hbm>>) target(%dma_start3A_423 : memref<50x64xf32, #tpu.memory_space<vmem>>) offsets(%dma_start3A_426 : memref<50xi32, #tpu.memory_space<vmem>>) semaphore(%arg9 : memref<!tpu.dma_semaphore, #tpu.memory_space<semaphore_mem>>)
        %mul3A_430 = arith.constant 8 : i32
        %mul3A_431 = arith.muli %add3A_369, %mul3A_430 : i32
        %add3A_432 = arith.constant 4 : i32
        %add3A_433 = arith.addi %mul3A_431, %add3A_432 : i32
        %dma_start3A_434 = arith.constant 4 : i32
        %dma_start3A_435 = arith.constant 0 : i32
        %dma_start3A_436 = arith.constant 0 : i32
        %dma_start3A_437 = tpu.memref_slice %arg7[%dma_start3A_434, %dma_start3A_435, %dma_start3A_436] : memref<8x50x64xf32, #tpu.memory_space<vmem>> -> memref<1x50x64xf32, #tpu.memory_space<vmem>>
        %dma_start3A_438 = tpu.memref_squeeze %dma_start3A_437 : memref<1x50x64xf32, #tpu.memory_space<vmem>> -> memref<50x64xf32, #tpu.memory_space<vmem>>
        %dma_start3A_439 = arith.constant 0 : i32
        %dma_start3A_440 = tpu.memref_slice %arg6[%add3A_433, %dma_start3A_439] : memref<512x50xi32, #tpu.memory_space<vmem>> -> memref<1x50xi32, #tpu.memory_space<vmem>>
        %dma_start3A_441 = tpu.memref_squeeze %dma_start3A_440 : memref<1x50xi32, #tpu.memory_space<vmem>> -> memref<50xi32, #tpu.memory_space<vmem>>
        %dma_start3A_442 = arith.constant 0 : i32
        %dma_start3A_443 = arith.constant 0 : i32
        %dma_start3A_444 = tpu.memref_slice %arg3[%dma_start3A_442, %dma_start3A_443] : memref<1000000x64xf32, #tpu.memory_space<hbm>> -> memref<1000000x64xf32, #tpu.memory_space<hbm>>
        tpu.enqueue_indirect_dma source(%dma_start3A_444 : memref<1000000x64xf32, #tpu.memory_space<hbm>>) target(%dma_start3A_438 : memref<50x64xf32, #tpu.memory_space<vmem>>) offsets(%dma_start3A_441 : memref<50xi32, #tpu.memory_space<vmem>>) semaphore(%arg9 : memref<!tpu.dma_semaphore, #tpu.memory_space<semaphore_mem>>)
        %mul3A_445 = arith.constant 8 : i32
        %mul3A_446 = arith.muli %add3A_369, %mul3A_445 : i32
        %add3A_447 = arith.constant 5 : i32
        %add3A_448 = arith.addi %mul3A_446, %add3A_447 : i32
        %dma_start3A_449 = arith.constant 5 : i32
        %dma_start3A_450 = arith.constant 0 : i32
        %dma_start3A_451 = arith.constant 0 : i32
        %dma_start3A_452 = tpu.memref_slice %arg7[%dma_start3A_449, %dma_start3A_450, %dma_start3A_451] : memref<8x50x64xf32, #tpu.memory_space<vmem>> -> memref<1x50x64xf32, #tpu.memory_space<vmem>>
        %dma_start3A_453 = tpu.memref_squeeze %dma_start3A_452 : memref<1x50x64xf32, #tpu.memory_space<vmem>> -> memref<50x64xf32, #tpu.memory_space<vmem>>
        %dma_start3A_454 = arith.constant 0 : i32
        %dma_start3A_455 = tpu.memref_slice %arg6[%add3A_448, %dma_start3A_454] : memref<512x50xi32, #tpu.memory_space<vmem>> -> memref<1x50xi32, #tpu.memory_space<vmem>>
        %dma_start3A_456 = tpu.memref_squeeze %dma_start3A_455 : memref<1x50xi32, #tpu.memory_space<vmem>> -> memref<50xi32, #tpu.memory_space<vmem>>
        %dma_start3A_457 = arith.constant 0 : i32
        %dma_start3A_458 = arith.constant 0 : i32
        %dma_start3A_459 = tpu.memref_slice %arg3[%dma_start3A_457, %dma_start3A_458] : memref<1000000x64xf32, #tpu.memory_space<hbm>> -> memref<1000000x64xf32, #tpu.memory_space<hbm>>
        tpu.enqueue_indirect_dma source(%dma_start3A_459 : memref<1000000x64xf32, #tpu.memory_space<hbm>>) target(%dma_start3A_453 : memref<50x64xf32, #tpu.memory_space<vmem>>) offsets(%dma_start3A_456 : memref<50xi32, #tpu.memory_space<vmem>>) semaphore(%arg9 : memref<!tpu.dma_semaphore, #tpu.memory_space<semaphore_mem>>)
        %mul3A_460 = arith.constant 8 : i32
        %mul3A_461 = arith.muli %add3A_369, %mul3A_460 : i32
        %add3A_462 = arith.constant 6 : i32
        %add3A_463 = arith.addi %mul3A_461, %add3A_462 : i32
        %dma_start3A_464 = arith.constant 6 : i32
        %dma_start3A_465 = arith.constant 0 : i32
        %dma_start3A_466 = arith.constant 0 : i32
        %dma_start3A_467 = tpu.memref_slice %arg7[%dma_start3A_464, %dma_start3A_465, %dma_start3A_466] : memref<8x50x64xf32, #tpu.memory_space<vmem>> -> memref<1x50x64xf32, #tpu.memory_space<vmem>>
        %dma_start3A_468 = tpu.memref_squeeze %dma_start3A_467 : memref<1x50x64xf32, #tpu.memory_space<vmem>> -> memref<50x64xf32, #tpu.memory_space<vmem>>
        %dma_start3A_469 = arith.constant 0 : i32
        %dma_start3A_470 = tpu.memref_slice %arg6[%add3A_463, %dma_start3A_469] : memref<512x50xi32, #tpu.memory_space<vmem>> -> memref<1x50xi32, #tpu.memory_space<vmem>>
        %dma_start3A_471 = tpu.memref_squeeze %dma_start3A_470 : memref<1x50xi32, #tpu.memory_space<vmem>> -> memref<50xi32, #tpu.memory_space<vmem>>
        %dma_start3A_472 = arith.constant 0 : i32
        %dma_start3A_473 = arith.constant 0 : i32
        %dma_start3A_474 = tpu.memref_slice %arg3[%dma_start3A_472, %dma_start3A_473] : memref<1000000x64xf32, #tpu.memory_space<hbm>> -> memref<1000000x64xf32, #tpu.memory_space<hbm>>
        tpu.enqueue_indirect_dma source(%dma_start3A_474 : memref<1000000x64xf32, #tpu.memory_space<hbm>>) target(%dma_start3A_468 : memref<50x64xf32, #tpu.memory_space<vmem>>) offsets(%dma_start3A_471 : memref<50xi32, #tpu.memory_space<vmem>>) semaphore(%arg9 : memref<!tpu.dma_semaphore, #tpu.memory_space<semaphore_mem>>)
        %mul3A_475 = arith.constant 8 : i32
        %mul3A_476 = arith.muli %add3A_369, %mul3A_475 : i32
        %add3A_477 = arith.constant 7 : i32
        %add3A_478 = arith.addi %mul3A_476, %add3A_477 : i32
        %dma_start3A_479 = arith.constant 7 : i32
        %dma_start3A_480 = arith.constant 0 : i32
        %dma_start3A_481 = arith.constant 0 : i32
        %dma_start3A_482 = tpu.memref_slice %arg7[%dma_start3A_479, %dma_start3A_480, %dma_start3A_481] : memref<8x50x64xf32, #tpu.memory_space<vmem>> -> memref<1x50x64xf32, #tpu.memory_space<vmem>>
        %dma_start3A_483 = tpu.memref_squeeze %dma_start3A_482 : memref<1x50x64xf32, #tpu.memory_space<vmem>> -> memref<50x64xf32, #tpu.memory_space<vmem>>
        %dma_start3A_484 = arith.constant 0 : i32
        %dma_start3A_485 = tpu.memref_slice %arg6[%add3A_478, %dma_start3A_484] : memref<512x50xi32, #tpu.memory_space<vmem>> -> memref<1x50xi32, #tpu.memory_space<vmem>>
        %dma_start3A_486 = tpu.memref_squeeze %dma_start3A_485 : memref<1x50xi32, #tpu.memory_space<vmem>> -> memref<50xi32, #tpu.memory_space<vmem>>
        %dma_start3A_487 = arith.constant 0 : i32
        %dma_start3A_488 = arith.constant 0 : i32
        %dma_start3A_489 = tpu.memref_slice %arg3[%dma_start3A_487, %dma_start3A_488] : memref<1000000x64xf32, #tpu.memory_space<hbm>> -> memref<1000000x64xf32, #tpu.memory_space<hbm>>
        tpu.enqueue_indirect_dma source(%dma_start3A_489 : memref<1000000x64xf32, #tpu.memory_space<hbm>>) target(%dma_start3A_483 : memref<50x64xf32, #tpu.memory_space<vmem>>) offsets(%dma_start3A_486 : memref<50xi32, #tpu.memory_space<vmem>>) semaphore(%arg9 : memref<!tpu.dma_semaphore, #tpu.memory_space<semaphore_mem>>)
      } else {
      }
      %dma_wait3A_245 = arith.constant 0 : i32
      %dma_wait3A_246 = arith.constant 0 : i32
      %dma_wait3A_247 = arith.constant 0 : i32
      %dma_wait3A_248 = tpu.memref_slice %arg8[%dma_wait3A_245, %dma_wait3A_246, %dma_wait3A_247] : memref<8x50x64xf32, #tpu.memory_space<vmem>> -> memref<1x50x64xf32, #tpu.memory_space<vmem>>
      %dma_wait3A_249 = tpu.memref_squeeze %dma_wait3A_248 : memref<1x50x64xf32, #tpu.memory_space<vmem>> -> memref<50x64xf32, #tpu.memory_space<vmem>>
      %dma_wait3A_250 = arith.constant 0 : i32
      %dma_wait3A_251 = arith.constant 0 : i32
      %dma_wait3A_252 = tpu.memref_slice %arg3[%dma_wait3A_250, %dma_wait3A_251] : memref<1000000x64xf32, #tpu.memory_space<hbm>> -> memref<50x64xf32, #tpu.memory_space<hbm>>
      %dma_wait3A_253 = arith.constant 0 : i32
      %dma_wait3A_254 = arith.constant 0 : i32
      %dma_wait3A_255 = tpu.memref_slice %arg8[%dma_wait3A_245, %dma_wait3A_253, %dma_wait3A_254] : memref<8x50x64xf32, #tpu.memory_space<vmem>> -> memref<1x50x64xf32, #tpu.memory_space<vmem>>
      %dma_wait3A_256 = tpu.memref_squeeze %dma_wait3A_255 : memref<1x50x64xf32, #tpu.memory_space<vmem>> -> memref<50x64xf32, #tpu.memory_space<vmem>>
      %dma_wait3A_257 = arith.constant 0 : i32
      %dma_wait3A_258 = arith.constant 0 : i32
      %dma_wait3A_259 = tpu.memref_slice %arg3[%dma_wait3A_257, %dma_wait3A_258] : memref<1000000x64xf32, #tpu.memory_space<hbm>> -> memref<50x64xf32, #tpu.memory_space<hbm>>
      tpu.wait_dma2 semaphore(%arg10 : memref<!tpu.dma_semaphore, #tpu.memory_space<semaphore_mem>>) src(%dma_wait3A_259 : memref<50x64xf32, #tpu.memory_space<hbm>>) dst(%dma_wait3A_256 : memref<50x64xf32, #tpu.memory_space<vmem>>)
      %dma_wait3A_260 = arith.constant 1 : i32
      %dma_wait3A_261 = arith.constant 0 : i32
      %dma_wait3A_262 = arith.constant 0 : i32
      %dma_wait3A_263 = tpu.memref_slice %arg8[%dma_wait3A_260, %dma_wait3A_261, %dma_wait3A_262] : memref<8x50x64xf32, #tpu.memory_space<vmem>> -> memref<1x50x64xf32, #tpu.memory_space<vmem>>
      %dma_wait3A_264 = tpu.memref_squeeze %dma_wait3A_263 : memref<1x50x64xf32, #tpu.memory_space<vmem>> -> memref<50x64xf32, #tpu.memory_space<vmem>>
      %dma_wait3A_265 = arith.constant 0 : i32
      %dma_wait3A_266 = arith.constant 0 : i32
      %dma_wait3A_267 = tpu.memref_slice %arg3[%dma_wait3A_265, %dma_wait3A_266] : memref<1000000x64xf32, #tpu.memory_space<hbm>> -> memref<50x64xf32, #tpu.memory_space<hbm>>
      %dma_wait3A_268 = arith.constant 0 : i32
      %dma_wait3A_269 = arith.constant 0 : i32
      %dma_wait3A_270 = tpu.memref_slice %arg8[%dma_wait3A_260, %dma_wait3A_268, %dma_wait3A_269] : memref<8x50x64xf32, #tpu.memory_space<vmem>> -> memref<1x50x64xf32, #tpu.memory_space<vmem>>
      %dma_wait3A_271 = tpu.memref_squeeze %dma_wait3A_270 : memref<1x50x64xf32, #tpu.memory_space<vmem>> -> memref<50x64xf32, #tpu.memory_space<vmem>>
      %dma_wait3A_272 = arith.constant 0 : i32
      %dma_wait3A_273 = arith.constant 0 : i32
      %dma_wait3A_274 = tpu.memref_slice %arg3[%dma_wait3A_272, %dma_wait3A_273] : memref<1000000x64xf32, #tpu.memory_space<hbm>> -> memref<50x64xf32, #tpu.memory_space<hbm>>
      tpu.wait_dma2 semaphore(%arg10 : memref<!tpu.dma_semaphore, #tpu.memory_space<semaphore_mem>>) src(%dma_wait3A_274 : memref<50x64xf32, #tpu.memory_space<hbm>>) dst(%dma_wait3A_271 : memref<50x64xf32, #tpu.memory_space<vmem>>)
      %dma_wait3A_275 = arith.constant 2 : i32
      %dma_wait3A_276 = arith.constant 0 : i32
      %dma_wait3A_277 = arith.constant 0 : i32
      %dma_wait3A_278 = tpu.memref_slice %arg8[%dma_wait3A_275, %dma_wait3A_276, %dma_wait3A_277] : memref<8x50x64xf32, #tpu.memory_space<vmem>> -> memref<1x50x64xf32, #tpu.memory_space<vmem>>
      %dma_wait3A_279 = tpu.memref_squeeze %dma_wait3A_278 : memref<1x50x64xf32, #tpu.memory_space<vmem>> -> memref<50x64xf32, #tpu.memory_space<vmem>>
      %dma_wait3A_280 = arith.constant 0 : i32
      %dma_wait3A_281 = arith.constant 0 : i32
      %dma_wait3A_282 = tpu.memref_slice %arg3[%dma_wait3A_280, %dma_wait3A_281] : memref<1000000x64xf32, #tpu.memory_space<hbm>> -> memref<50x64xf32, #tpu.memory_space<hbm>>
      %dma_wait3A_283 = arith.constant 0 : i32
      %dma_wait3A_284 = arith.constant 0 : i32
      %dma_wait3A_285 = tpu.memref_slice %arg8[%dma_wait3A_275, %dma_wait3A_283, %dma_wait3A_284] : memref<8x50x64xf32, #tpu.memory_space<vmem>> -> memref<1x50x64xf32, #tpu.memory_space<vmem>>
      %dma_wait3A_286 = tpu.memref_squeeze %dma_wait3A_285 : memref<1x50x64xf32, #tpu.memory_space<vmem>> -> memref<50x64xf32, #tpu.memory_space<vmem>>
      %dma_wait3A_287 = arith.constant 0 : i32
      %dma_wait3A_288 = arith.constant 0 : i32
      %dma_wait3A_289 = tpu.memref_slice %arg3[%dma_wait3A_287, %dma_wait3A_288] : memref<1000000x64xf32, #tpu.memory_space<hbm>> -> memref<50x64xf32, #tpu.memory_space<hbm>>
      tpu.wait_dma2 semaphore(%arg10 : memref<!tpu.dma_semaphore, #tpu.memory_space<semaphore_mem>>) src(%dma_wait3A_289 : memref<50x64xf32, #tpu.memory_space<hbm>>) dst(%dma_wait3A_286 : memref<50x64xf32, #tpu.memory_space<vmem>>)
      %dma_wait3A_290 = arith.constant 3 : i32
      %dma_wait3A_291 = arith.constant 0 : i32
      %dma_wait3A_292 = arith.constant 0 : i32
      %dma_wait3A_293 = tpu.memref_slice %arg8[%dma_wait3A_290, %dma_wait3A_291, %dma_wait3A_292] : memref<8x50x64xf32, #tpu.memory_space<vmem>> -> memref<1x50x64xf32, #tpu.memory_space<vmem>>
      %dma_wait3A_294 = tpu.memref_squeeze %dma_wait3A_293 : memref<1x50x64xf32, #tpu.memory_space<vmem>> -> memref<50x64xf32, #tpu.memory_space<vmem>>
      %dma_wait3A_295 = arith.constant 0 : i32
      %dma_wait3A_296 = arith.constant 0 : i32
      %dma_wait3A_297 = tpu.memref_slice %arg3[%dma_wait3A_295, %dma_wait3A_296] : memref<1000000x64xf32, #tpu.memory_space<hbm>> -> memref<50x64xf32, #tpu.memory_space<hbm>>
      %dma_wait3A_298 = arith.constant 0 : i32
      %dma_wait3A_299 = arith.constant 0 : i32
      %dma_wait3A_300 = tpu.memref_slice %arg8[%dma_wait3A_290, %dma_wait3A_298, %dma_wait3A_299] : memref<8x50x64xf32, #tpu.memory_space<vmem>> -> memref<1x50x64xf32, #tpu.memory_space<vmem>>
      %dma_wait3A_301 = tpu.memref_squeeze %dma_wait3A_300 : memref<1x50x64xf32, #tpu.memory_space<vmem>> -> memref<50x64xf32, #tpu.memory_space<vmem>>
      %dma_wait3A_302 = arith.constant 0 : i32
      %dma_wait3A_303 = arith.constant 0 : i32
      %dma_wait3A_304 = tpu.memref_slice %arg3[%dma_wait3A_302, %dma_wait3A_303] : memref<1000000x64xf32, #tpu.memory_space<hbm>> -> memref<50x64xf32, #tpu.memory_space<hbm>>
      tpu.wait_dma2 semaphore(%arg10 : memref<!tpu.dma_semaphore, #tpu.memory_space<semaphore_mem>>) src(%dma_wait3A_304 : memref<50x64xf32, #tpu.memory_space<hbm>>) dst(%dma_wait3A_301 : memref<50x64xf32, #tpu.memory_space<vmem>>)
      %dma_wait3A_305 = arith.constant 4 : i32
      %dma_wait3A_306 = arith.constant 0 : i32
      %dma_wait3A_307 = arith.constant 0 : i32
      %dma_wait3A_308 = tpu.memref_slice %arg8[%dma_wait3A_305, %dma_wait3A_306, %dma_wait3A_307] : memref<8x50x64xf32, #tpu.memory_space<vmem>> -> memref<1x50x64xf32, #tpu.memory_space<vmem>>
      %dma_wait3A_309 = tpu.memref_squeeze %dma_wait3A_308 : memref<1x50x64xf32, #tpu.memory_space<vmem>> -> memref<50x64xf32, #tpu.memory_space<vmem>>
      %dma_wait3A_310 = arith.constant 0 : i32
      %dma_wait3A_311 = arith.constant 0 : i32
      %dma_wait3A_312 = tpu.memref_slice %arg3[%dma_wait3A_310, %dma_wait3A_311] : memref<1000000x64xf32, #tpu.memory_space<hbm>> -> memref<50x64xf32, #tpu.memory_space<hbm>>
      %dma_wait3A_313 = arith.constant 0 : i32
      %dma_wait3A_314 = arith.constant 0 : i32
      %dma_wait3A_315 = tpu.memref_slice %arg8[%dma_wait3A_305, %dma_wait3A_313, %dma_wait3A_314] : memref<8x50x64xf32, #tpu.memory_space<vmem>> -> memref<1x50x64xf32, #tpu.memory_space<vmem>>
      %dma_wait3A_316 = tpu.memref_squeeze %dma_wait3A_315 : memref<1x50x64xf32, #tpu.memory_space<vmem>> -> memref<50x64xf32, #tpu.memory_space<vmem>>
      %dma_wait3A_317 = arith.constant 0 : i32
      %dma_wait3A_318 = arith.constant 0 : i32
      %dma_wait3A_319 = tpu.memref_slice %arg3[%dma_wait3A_317, %dma_wait3A_318] : memref<1000000x64xf32, #tpu.memory_space<hbm>> -> memref<50x64xf32, #tpu.memory_space<hbm>>
      tpu.wait_dma2 semaphore(%arg10 : memref<!tpu.dma_semaphore, #tpu.memory_space<semaphore_mem>>) src(%dma_wait3A_319 : memref<50x64xf32, #tpu.memory_space<hbm>>) dst(%dma_wait3A_316 : memref<50x64xf32, #tpu.memory_space<vmem>>)
      %dma_wait3A_320 = arith.constant 5 : i32
      %dma_wait3A_321 = arith.constant 0 : i32
      %dma_wait3A_322 = arith.constant 0 : i32
      %dma_wait3A_323 = tpu.memref_slice %arg8[%dma_wait3A_320, %dma_wait3A_321, %dma_wait3A_322] : memref<8x50x64xf32, #tpu.memory_space<vmem>> -> memref<1x50x64xf32, #tpu.memory_space<vmem>>
      %dma_wait3A_324 = tpu.memref_squeeze %dma_wait3A_323 : memref<1x50x64xf32, #tpu.memory_space<vmem>> -> memref<50x64xf32, #tpu.memory_space<vmem>>
      %dma_wait3A_325 = arith.constant 0 : i32
      %dma_wait3A_326 = arith.constant 0 : i32
      %dma_wait3A_327 = tpu.memref_slice %arg3[%dma_wait3A_325, %dma_wait3A_326] : memref<1000000x64xf32, #tpu.memory_space<hbm>> -> memref<50x64xf32, #tpu.memory_space<hbm>>
      %dma_wait3A_328 = arith.constant 0 : i32
      %dma_wait3A_329 = arith.constant 0 : i32
      %dma_wait3A_330 = tpu.memref_slice %arg8[%dma_wait3A_320, %dma_wait3A_328, %dma_wait3A_329] : memref<8x50x64xf32, #tpu.memory_space<vmem>> -> memref<1x50x64xf32, #tpu.memory_space<vmem>>
      %dma_wait3A_331 = tpu.memref_squeeze %dma_wait3A_330 : memref<1x50x64xf32, #tpu.memory_space<vmem>> -> memref<50x64xf32, #tpu.memory_space<vmem>>
      %dma_wait3A_332 = arith.constant 0 : i32
      %dma_wait3A_333 = arith.constant 0 : i32
      %dma_wait3A_334 = tpu.memref_slice %arg3[%dma_wait3A_332, %dma_wait3A_333] : memref<1000000x64xf32, #tpu.memory_space<hbm>> -> memref<50x64xf32, #tpu.memory_space<hbm>>
      tpu.wait_dma2 semaphore(%arg10 : memref<!tpu.dma_semaphore, #tpu.memory_space<semaphore_mem>>) src(%dma_wait3A_334 : memref<50x64xf32, #tpu.memory_space<hbm>>) dst(%dma_wait3A_331 : memref<50x64xf32, #tpu.memory_space<vmem>>)
      %dma_wait3A_335 = arith.constant 6 : i32
      %dma_wait3A_336 = arith.constant 0 : i32
      %dma_wait3A_337 = arith.constant 0 : i32
      %dma_wait3A_338 = tpu.memref_slice %arg8[%dma_wait3A_335, %dma_wait3A_336, %dma_wait3A_337] : memref<8x50x64xf32, #tpu.memory_space<vmem>> -> memref<1x50x64xf32, #tpu.memory_space<vmem>>
      %dma_wait3A_339 = tpu.memref_squeeze %dma_wait3A_338 : memref<1x50x64xf32, #tpu.memory_space<vmem>> -> memref<50x64xf32, #tpu.memory_space<vmem>>
      %dma_wait3A_340 = arith.constant 0 : i32
      %dma_wait3A_341 = arith.constant 0 : i32
      %dma_wait3A_342 = tpu.memref_slice %arg3[%dma_wait3A_340, %dma_wait3A_341] : memref<1000000x64xf32, #tpu.memory_space<hbm>> -> memref<50x64xf32, #tpu.memory_space<hbm>>
      %dma_wait3A_343 = arith.constant 0 : i32
      %dma_wait3A_344 = arith.constant 0 : i32
      %dma_wait3A_345 = tpu.memref_slice %arg8[%dma_wait3A_335, %dma_wait3A_343, %dma_wait3A_344] : memref<8x50x64xf32, #tpu.memory_space<vmem>> -> memref<1x50x64xf32, #tpu.memory_space<vmem>>
      %dma_wait3A_346 = tpu.memref_squeeze %dma_wait3A_345 : memref<1x50x64xf32, #tpu.memory_space<vmem>> -> memref<50x64xf32, #tpu.memory_space<vmem>>
      %dma_wait3A_347 = arith.constant 0 : i32
      %dma_wait3A_348 = arith.constant 0 : i32
      %dma_wait3A_349 = tpu.memref_slice %arg3[%dma_wait3A_347, %dma_wait3A_348] : memref<1000000x64xf32, #tpu.memory_space<hbm>> -> memref<50x64xf32, #tpu.memory_space<hbm>>
      tpu.wait_dma2 semaphore(%arg10 : memref<!tpu.dma_semaphore, #tpu.memory_space<semaphore_mem>>) src(%dma_wait3A_349 : memref<50x64xf32, #tpu.memory_space<hbm>>) dst(%dma_wait3A_346 : memref<50x64xf32, #tpu.memory_space<vmem>>)
      %dma_wait3A_350 = arith.constant 7 : i32
      %dma_wait3A_351 = arith.constant 0 : i32
      %dma_wait3A_352 = arith.constant 0 : i32
      %dma_wait3A_353 = tpu.memref_slice %arg8[%dma_wait3A_350, %dma_wait3A_351, %dma_wait3A_352] : memref<8x50x64xf32, #tpu.memory_space<vmem>> -> memref<1x50x64xf32, #tpu.memory_space<vmem>>
      %dma_wait3A_354 = tpu.memref_squeeze %dma_wait3A_353 : memref<1x50x64xf32, #tpu.memory_space<vmem>> -> memref<50x64xf32, #tpu.memory_space<vmem>>
      %dma_wait3A_355 = arith.constant 0 : i32
      %dma_wait3A_356 = arith.constant 0 : i32
      %dma_wait3A_357 = tpu.memref_slice %arg3[%dma_wait3A_355, %dma_wait3A_356] : memref<1000000x64xf32, #tpu.memory_space<hbm>> -> memref<50x64xf32, #tpu.memory_space<hbm>>
      %dma_wait3A_358 = arith.constant 0 : i32
      %dma_wait3A_359 = arith.constant 0 : i32
      %dma_wait3A_360 = tpu.memref_slice %arg8[%dma_wait3A_350, %dma_wait3A_358, %dma_wait3A_359] : memref<8x50x64xf32, #tpu.memory_space<vmem>> -> memref<1x50x64xf32, #tpu.memory_space<vmem>>
      %dma_wait3A_361 = tpu.memref_squeeze %dma_wait3A_360 : memref<1x50x64xf32, #tpu.memory_space<vmem>> -> memref<50x64xf32, #tpu.memory_space<vmem>>
      %dma_wait3A_362 = arith.constant 0 : i32
      %dma_wait3A_363 = arith.constant 0 : i32
      %dma_wait3A_364 = tpu.memref_slice %arg3[%dma_wait3A_362, %dma_wait3A_363] : memref<1000000x64xf32, #tpu.memory_space<hbm>> -> memref<50x64xf32, #tpu.memory_space<hbm>>
      tpu.wait_dma2 semaphore(%arg10 : memref<!tpu.dma_semaphore, #tpu.memory_space<semaphore_mem>>) src(%dma_wait3A_364 : memref<50x64xf32, #tpu.memory_space<hbm>>) dst(%dma_wait3A_361 : memref<50x64xf32, #tpu.memory_space<vmem>>)
      %mul3A_365 = arith.constant 8 : i32
      %mul3A_366 = arith.muli %add3A_237, %mul3A_365 : i32
      %add3A_367 = arith.addi %mul3A_2, %mul3A_366 : i32
      "tpu.region"() ({
        %run_scoped3A = tpu.sem_alloc : memref<!tpu.dma_semaphore, #tpu.memory_space<semaphore_mem>>
        %dma_start3A_368 = arith.constant 0 : i32
        %dma_start3A_369 = arith.constant 0 : i32
        %dma_start3A_370 = arith.constant 0 : i32
        %dma_start3A_371 = tpu.memref_slice %arg8[%dma_start3A_368, %dma_start3A_369, %dma_start3A_370] : memref<8x50x64xf32, #tpu.memory_space<vmem>> -> memref<8x25x64xf32, #tpu.memory_space<vmem>>
        %dma_start3A_372 = arith.constant 0 : i32
        %dma_start3A_373 = arith.constant 0 : i32
        %dma_start3A_374 = tpu.memref_slice %arg4[%add3A_367, %dma_start3A_372, %dma_start3A_373] : memref<16384x25x64xf32, #tpu.memory_space<hbm>> -> memref<8x25x64xf32, #tpu.memory_space<hbm>>
        %dma_start3A_375 = arith.constant 0 : i32
        %dma_start3A_376 = arith.constant 0 : i32
        %dma_start3A_377 = tpu.memref_slice %arg4[%add3A_367, %dma_start3A_375, %dma_start3A_376] : memref<16384x25x64xf32, #tpu.memory_space<hbm>> -> memref<8x25x64xf32, #tpu.memory_space<hbm>>
        %dma_start3A_378 = arith.constant 0 : i32
        %dma_start3A_379 = arith.constant 0 : i32
        %dma_start3A_380 = arith.constant 0 : i32
        %dma_start3A_381 = tpu.memref_slice %arg8[%dma_start3A_378, %dma_start3A_379, %dma_start3A_380] : memref<8x50x64xf32, #tpu.memory_space<vmem>> -> memref<8x25x64xf32, #tpu.memory_space<vmem>>
        tpu.enqueue_dma source(%dma_start3A_381 : memref<8x25x64xf32, #tpu.memory_space<vmem>>) target(%dma_start3A_377 : memref<8x25x64xf32, #tpu.memory_space<hbm>>) target_semaphore(%run_scoped3A : memref<!tpu.dma_semaphore, #tpu.memory_space<semaphore_mem>>)
        %dma_wait3A_382 = arith.constant 0 : i32
        %dma_wait3A_383 = arith.constant 0 : i32
        %dma_wait3A_384 = arith.constant 0 : i32
        %dma_wait3A_385 = tpu.memref_slice %arg8[%dma_wait3A_382, %dma_wait3A_383, %dma_wait3A_384] : memref<8x50x64xf32, #tpu.memory_space<vmem>> -> memref<8x25x64xf32, #tpu.memory_space<vmem>>
        %dma_wait3A_386 = arith.constant 0 : i32
        %dma_wait3A_387 = arith.constant 0 : i32
        %dma_wait3A_388 = tpu.memref_slice %arg4[%add3A_367, %dma_wait3A_386, %dma_wait3A_387] : memref<16384x25x64xf32, #tpu.memory_space<hbm>> -> memref<8x25x64xf32, #tpu.memory_space<hbm>>
        %dma_wait3A_389 = arith.constant 0 : i32
        %dma_wait3A_390 = arith.constant 0 : i32
        %dma_wait3A_391 = tpu.memref_slice %arg4[%add3A_367, %dma_wait3A_389, %dma_wait3A_390] : memref<16384x25x64xf32, #tpu.memory_space<hbm>> -> memref<8x25x64xf32, #tpu.memory_space<hbm>>
        %dma_wait3A_392 = arith.constant 0 : i32
        %dma_wait3A_393 = arith.constant 0 : i32
        %dma_wait3A_394 = arith.constant 0 : i32
        %dma_wait3A_395 = tpu.memref_slice %arg8[%dma_wait3A_392, %dma_wait3A_393, %dma_wait3A_394] : memref<8x50x64xf32, #tpu.memory_space<vmem>> -> memref<8x25x64xf32, #tpu.memory_space<vmem>>
        tpu.wait_dma2 semaphore(%run_scoped3A : memref<!tpu.dma_semaphore, #tpu.memory_space<semaphore_mem>>) src(%dma_wait3A_395 : memref<8x25x64xf32, #tpu.memory_space<vmem>>) dst(%dma_wait3A_391 : memref<8x25x64xf32, #tpu.memory_space<hbm>>)
        tpu.yield
      }) : () -> ()
      "tpu.region"() ({
        %run_scoped3A = tpu.sem_alloc : memref<!tpu.dma_semaphore, #tpu.memory_space<semaphore_mem>>
        %dma_start3A_368 = arith.constant 0 : i32
        %dma_start3A_369 = arith.constant 25 : i32
        %dma_start3A_370 = arith.constant 0 : i32
        %dma_start3A_371 = tpu.memref_slice %arg8[%dma_start3A_368, %dma_start3A_369, %dma_start3A_370] : memref<8x50x64xf32, #tpu.memory_space<vmem>> -> memref<8x25x64xf32, #tpu.memory_space<vmem>>
        %dma_start3A_372 = arith.constant 0 : i32
        %dma_start3A_373 = arith.constant 0 : i32
        %dma_start3A_374 = tpu.memref_slice %arg5[%add3A_367, %dma_start3A_372, %dma_start3A_373] : memref<16384x25x64xf32, #tpu.memory_space<hbm>> -> memref<8x25x64xf32, #tpu.memory_space<hbm>>
        %dma_start3A_375 = arith.constant 0 : i32
        %dma_start3A_376 = arith.constant 0 : i32
        %dma_start3A_377 = tpu.memref_slice %arg5[%add3A_367, %dma_start3A_375, %dma_start3A_376] : memref<16384x25x64xf32, #tpu.memory_space<hbm>> -> memref<8x25x64xf32, #tpu.memory_space<hbm>>
        %dma_start3A_378 = arith.constant 0 : i32
        %dma_start3A_379 = arith.constant 25 : i32
        %dma_start3A_380 = arith.constant 0 : i32
        %dma_start3A_381 = tpu.memref_slice %arg8[%dma_start3A_378, %dma_start3A_379, %dma_start3A_380] : memref<8x50x64xf32, #tpu.memory_space<vmem>> -> memref<8x25x64xf32, #tpu.memory_space<vmem>>
        tpu.enqueue_dma source(%dma_start3A_381 : memref<8x25x64xf32, #tpu.memory_space<vmem>>) target(%dma_start3A_377 : memref<8x25x64xf32, #tpu.memory_space<hbm>>) target_semaphore(%run_scoped3A : memref<!tpu.dma_semaphore, #tpu.memory_space<semaphore_mem>>)
        %dma_wait3A_382 = arith.constant 0 : i32
        %dma_wait3A_383 = arith.constant 25 : i32
        %dma_wait3A_384 = arith.constant 0 : i32
        %dma_wait3A_385 = tpu.memref_slice %arg8[%dma_wait3A_382, %dma_wait3A_383, %dma_wait3A_384] : memref<8x50x64xf32, #tpu.memory_space<vmem>> -> memref<8x25x64xf32, #tpu.memory_space<vmem>>
        %dma_wait3A_386 = arith.constant 0 : i32
        %dma_wait3A_387 = arith.constant 0 : i32
        %dma_wait3A_388 = tpu.memref_slice %arg5[%add3A_367, %dma_wait3A_386, %dma_wait3A_387] : memref<16384x25x64xf32, #tpu.memory_space<hbm>> -> memref<8x25x64xf32, #tpu.memory_space<hbm>>
        %dma_wait3A_389 = arith.constant 0 : i32
        %dma_wait3A_390 = arith.constant 0 : i32
        %dma_wait3A_391 = tpu.memref_slice %arg5[%add3A_367, %dma_wait3A_389, %dma_wait3A_390] : memref<16384x25x64xf32, #tpu.memory_space<hbm>> -> memref<8x25x64xf32, #tpu.memory_space<hbm>>
        %dma_wait3A_392 = arith.constant 0 : i32
        %dma_wait3A_393 = arith.constant 25 : i32
        %dma_wait3A_394 = arith.constant 0 : i32
        %dma_wait3A_395 = tpu.memref_slice %arg8[%dma_wait3A_392, %dma_wait3A_393, %dma_wait3A_394] : memref<8x50x64xf32, #tpu.memory_space<vmem>> -> memref<8x25x64xf32, #tpu.memory_space<vmem>>
        tpu.wait_dma2 semaphore(%run_scoped3A : memref<!tpu.dma_semaphore, #tpu.memory_space<semaphore_mem>>) src(%dma_wait3A_395 : memref<8x25x64xf32, #tpu.memory_space<vmem>>) dst(%dma_wait3A_391 : memref<8x25x64xf32, #tpu.memory_space<hbm>>)
        tpu.yield
      }) : () -> ()
    }
    %scan3A_102 = arith.constant 32 : i32
    return
  }
}

</mosaic_0001>

<sc_bundles>
// kernel: kernel.3.cloned.1.call-start
scs
__scs_entry_jumppad:
0x0: {  	(pc) =	sbr.rel $0x88, $3  }
0x1: {  	(tag) =	ssettag $0x0;
	lr =	simm.s32 $0x1  }
0x2: {  	[smem:$0x3F9F] =	sst lr;
	_ =	strace $0xD0000000  }
0x3: {  	_ = 	snop  }
0x4: {  	_ = 	snop  }
0x5: {  	_ = 	snop  }
0x6: {  	_ = 	snop  }
0x7: {  	_ = 	snop  }
__scs_overlays_trampoline_lowered:
0x8: {  	[smem:$0x3FAE] =	sst s0  }
0x9: {  	[smem:$0x3FAF] =	sst s1  }
0xa: {  	[smem:$0x3FB0] =	sst s2  }
0xb: {  	[smem:$0x3FB1] =	sst s3  }
0xc: {  	[smem:$0x3FB2] =	sst s4  }
0xd: {  	[smem:$0x3FB3] =	sst s5  }
0xe: {  	[smem:$0x3FB4] =	sst s6  }
0xf: {  	[smem:$0x3FB5] =	sst s7  }
0x10: {  	[smem:$0x3FB6] =	sst s8  }
0x11: {  	[smem:$0x3FB7] =	sst s9;
	s0 =	simm.s32 @!p0 $0x0  }
0x12: {  	s1 =	sld [smem:$0x3F9D];
	s0 =	simm.s32 @p0 $0x1  }
0x13: {  	[smem:$0x3FB8] =	sst s0;
	s0 =	simm.s32 @!p1 $0x0  }
0x14: {  	s2 =	sld [smem:$0x3F9C];
	s0 =	simm.s32 @p1 $0x1  }
0x15: {  	[smem:$0x3FB9] =	sst s0;
	s0 =	simm.s32 @!p2 $0x0  }
0x16: {  	s3 =	sld [smem:$0x3FDB];
	s0 =	simm.s32 @p2 $0x1  }
0x17: {  	s4 =	simm.s32 $0x1BF5;
	[smem:$0x3FBB] =	sst s0  }
0x18: {  	s0 =	sld [smem:$0x3F9E];
	_ =	swait.ge [sflag:s4], $0x0  }
0x19: {  	s7 =	sld [smem:$0x3F9F]  }
0x1a: {  	s8 =	sadd.s32 $0xFFFFE003, lr  }
0x1b: {  	s9 =	sadd.s32 $0xFFFFFEF7, lr;
	s5 =	simm.s32 $0xFFFFFFFF;
	p2 =	slt.u32 s8, $0xFFFFF086  }
0x1c: {  	p1 =	slt.u32 s9, $0xF7A;
	s5 =	simm.s32 @!p2 $0x0  }
0x1d: {  	s5 =	simm.s32 @p1 $0x1;
	p0 =	seq.s32 s7, s2  }
0x1e: {  	s7 =	smul.u32 @!p0 $0xF7A, s2;
	p2 =	seq.s32 @!p0 s5, $0x0  }
0x1f: {  	s9 =	smul.u32 $0xF7A, s1;
	s8 =	simm.s32 @!p0 $0x1BF5;
	p2 =	por !p2, p0  }
0x20: {  	[sflag:s8] =	ssyncset.s32 @!p0 $0xFFFFF086;
	s6 =	sadd.s32 @!p0 s3, s7;
	s7 =	simm.s32 @!p0 $0x108  }
0x21: {  	s3 =	sadd.s32 s3, s9;
	s6 =	sadd.s32 @!p0 $0x88, s6;
	s7 =	simm.s32 @p2 $0x1082  }
0x22: {  	[simem:s7], [sflag:s8] =	dma.local @!p0 [hbm:s6], $0xF7A  }
0x23: {  	s9 =	sor.u32 $0xD0000000, s2;
	s6 =	simm.s32 $0x108;
	_ =	swait.ge @!p0 [sflag:s8], $0x0  }
0x24: {  	s3 =	sadd.s32 $0x88, s3;
	s6 =	simm.s32 @!p1 $0x1082;
	[sflag:s4] =	ssyncset.s32 $0xFFFFF086  }
0x25: {  	[simem:s6], [sflag:s4] =	dma.local [hbm:s3], $0xF7A  }
0x26: {  	[smem:$0x3F9F] =	sst s1;
	(tag) =	ssettag s2;
	_ =	strace s9  }
0x27: {  	s1 =	sld [smem:$0x3FAF]  }
0x28: {  	s2 =	sld [smem:$0x3FB0]  }
0x29: {  	s4 =	sld [smem:$0x3FB2]  }
0x2a: {  	p0 =	seq.s32 s5, $0x0;
	s5 =	sld [smem:$0x3FB3]  }
0x2b: {  	s6 =	sld [smem:$0x3FB4]  }
0x2c: {  	s7 =	sld [smem:$0x3FB5]  }
0x2d: {  	s3 =	simm.s32 $0x108;
	s8 =	sld [smem:$0x3FB6]  }
0x2e: {  	s3 =	simm.s32 @!p0 $0x1082;
	s9 =	sld [smem:$0x3FB7]  }
0x2f: {  	lr =	sadd.s32 s0, s3;
	s0 =	sld [smem:$0x3FAE]  }
0x30: {  	s3 =	sld [smem:$0x3FB1]  }
0x31: {  	[smem:$0x3FBA] =	sst s10  }
0x32: {  	s10 =	sld [smem:$0x3FB8];
	_ =	sdelay $0x3  }
0x33: {  	p0 =	seq.s32 s10, $0x1;
	s10 =	sld [smem:$0x3FBA];
	_ =	sdelay $0x3  }
0x34: {  	[smem:$0x3FBA] =	sst s10  }
0x35: {  	s10 =	sld [smem:$0x3FB9];
	_ =	sdelay $0x3  }
0x36: {  	p1 =	seq.s32 s10, $0x1;
	s10 =	sld [smem:$0x3FBA];
	_ =	sdelay $0x3  }
0x37: {  	[smem:$0x3FBA] =	sst s10  }
0x38: {  	s10 =	sld [smem:$0x3FBB]  }
0x39: {  	_ = 	snop;
	(pc) =	sbr.ind lr, $3  }
0x3a: {  	_ = 	snop  }
0x3b: {  	_ = 	snop  }
0x3c: {  	p2 =	seq.s32 s10, $0x1;
	s10 =	sld [smem:$0x3FBA]  }
0x3d: {  	_ =	shalt  }
0x3e: {  	_ =	shalt  }
0x3f: {  	_ =	shalt  }
0x40: {  	_ =	shalt  }
0x41: {  	_ =	shalt  }
0x42: {  	_ =	shalt  }
0x43: {  	_ =	shalt  }
0x44: {  	_ =	shalt  }
0x45: {  	_ =	shalt  }
0x46: {  	_ =	shalt  }
0x47: {  	_ =	shalt  }
0x48: {  	_ =	shalt  }
0x49: {  	_ =	shalt  }
0x4a: {  	_ =	shalt  }
0x4b: {  	_ =	shalt  }
0x4c: {  	_ =	shalt  }
0x4d: {  	_ =	shalt  }
0x4e: {  	_ =	shalt  }
0x4f: {  	_ =	shalt  }
0x50: {  	_ =	shalt  }
0x51: {  	_ =	shalt  }
0x52: {  	_ =	shalt  }
0x53: {  	_ =	shalt  }
0x54: {  	_ =	shalt  }
0x55: {  	_ =	shalt  }
0x56: {  	_ =	shalt  }
0x57: {  	_ =	shalt  }
0x58: {  	_ =	shalt  }
0x59: {  	_ =	shalt  }
0x5a: {  	_ =	shalt  }
0x5b: {  	_ =	shalt  }
0x5c: {  	_ =	shalt  }
0x5d: {  	_ =	shalt  }
0x5e: {  	_ =	shalt  }
0x5f: {  	_ =	shalt  }
0x60: {  	_ =	shalt  }
0x61: {  	_ =	shalt  }
0x62: {  	_ =	shalt  }
0x63: {  	_ =	shalt  }
0x64: {  	_ =	shalt  }
0x65: {  	_ =	shalt  }
0x66: {  	_ =	shalt  }
0x67: {  	_ =	shalt  }
0x68: {  	_ =	shalt  }
0x69: {  	_ =	shalt  }
0x6a: {  	_ =	shalt  }
0x6b: {  	_ =	shalt  }
0x6c: {  	_ =	shalt  }
0x6d: {  	_ =	shalt  }
0x6e: {  	_ =	shalt  }
0x6f: {  	_ =	shalt  }
0x70: {  	_ =	shalt  }
0x71: {  	_ =	shalt  }
0x72: {  	_ =	shalt  }
0x73: {  	_ =	shalt  }
0x74: {  	_ =	shalt  }
0x75: {  	_ =	shalt  }
0x76: {  	_ =	shalt  }
0x77: {  	_ =	shalt  }
0x78: {  	_ =	shalt  }
0x79: {  	_ =	shalt  }
0x7a: {  	_ =	shalt  }
0x7b: {  	_ =	shalt  }
0x7c: {  	_ =	shalt  }
0x7d: {  	_ =	shalt  }
0x7e: {  	_ =	shalt  }
0x7f: {  	_ =	shalt  }
0x80: {  	_ =	shalt  }
0x81: {  	_ =	shalt  }
0x82: {  	_ =	shalt  }
0x83: {  	_ =	shalt  }
0x84: {  	_ =	shalt  }
0x85: {  	_ =	shalt  }
0x86: {  	_ =	shalt  }
0x87: {  	_ =	shalt  }
.Lfunc_end0:
.L_simem_size_0:
called_computation.2_lowered:
.L_overlay_start_0:
0x88: {  	s2 =	sld [smem:$0x3FD9]  }
0x89: {  	s3 =	sld [smem:$0x3FFE];
	_ =	sdelay $0x1  }
0x8a: {  	s1 =	srdreg.scid  }
0x8b: {  	s0 =	sand.u32 $0x1, s1  }
0x8c: {  	s17 =	sshll.u32 s0, $0xA;
	s2 =	sadd.s32 s3, s2  }
0x8d: {  	s2 =	sadd.s32 s2, s17  }
0x8e: {  	[smem:$0x3FC6] =	sst s2  }
0x8f: {  	_ = 	snop  }
0x90: {  	s2 =	sld [smem:$0x3FD0];
	(tm) =	ssettm $0x1  }
0x91: {  	s18 =	sld [smem:$0x3FFB];
	_ =	sdelay $0x3  }
0x92: {  	_ =	strace s18  }
0x93: {  	s3 =	sld [smem:$0x3FFC];
	_ =	sdelay $0x3  }
0x94: {  	_ =	strace s3  }
0x95: {  	s3 =	sld [smem:$0x3FFD];
	_ =	sdelay $0x3  }
0x96: {  	_ =	strace s3  }
0x97: {  	_ =	strace $0x8FFFFFFF  }
0x98: {  	s19 =	sld [smem:$0x3FDB];
	_ =	sdelay $0x1  }
0x99: {  	s4 =	simm.s32 $_scs_section_size  }
0x9a: {  	s5 =	simm.s32 $_size__tile_overlayer_lowered;
	s6 =	simm.s32 $_tile_overlayer_lowered  }
0x9b: {  	s22 =	simm.s32 $0x1BFF;
	s21 =	sshll.u32 s6, $0x1;
	s3 =	sadd.s32 s4, s19  }
0x9c: {  	s7 =	simm.s32 $0x0;
	s20 =	sshll.u32 s5, $0x1;
	s5 =	sadd.s32 s21, s3  }
0x9d: {  	[timem:s7], [sflag:s22] =	dma.local [hbm:s5], s20  }
0x9e: {  	_ =	swait.ge [sflag:s22], s20  }
0x9f: {  	s4 =	ssub.s32 $0x0, s20;
	[sflag:s22] =	ssyncset.done $0x0  }
0xa0: {  	[sflag:s22] =	ssyncadd.s32 s4;
	_ =	sdelay $0x1  }
0xa1: {  	s23 =	simm.s32 $0x1B8B  }
0xa2: {  	_ =	swait.ge [sflag:s23], $0x1  }
0xa3: {  	[sflag:s23] =	ssyncset.done $0x0  }
0xa4: {  	s25 =	simm.s32 $0x1B8E;
	s24 =	sld [smem:$0x3FFE];
	[sflag:s23] =	ssyncadd.s32 $0xFFFFFFFF  }
0xa5: {  	s26 =	simm.s32 $execute0_lowered;
	[smem:$0x3FD2] =	sst s25  }
0xa6: {  	s5 =	sshll.u32 s26, $0x1;
	_ =	strace $0x80000046;
	[dreg:$0x1] =	wrdreg $0xFFFFFFFF  }
0xa7: {  	s28 =	simm.s32 $_size_execute0_lowered;
	s3 =	sadd.s32 s3, s5;
	[dreg:$0x0] =	wrdreg $0x0  }
0xa8: {  	s5 =	sshll.u32 s28, $0x1;
	[dreg:$0x2] =	wrdreg s3  }
0xa9: {  	[dreg:$0x3] =	wrdreg s5  }
0xaa: {  	[dreg:$0x4] =	wrdreg $0xC0  }
0xab: {  	_ =	task [dreg:s7], $0x5FFFF  }
0xac: {  	[dreg:$0x1] =	wrdreg $0xFFFFFFFF  }
0xad: {  	[dreg:$0x0] =	wrdreg $0x60  }
0xae: {  	[dreg:$0x2] =	wrdreg s24  }
0xaf: {  	[dreg:$0x3] =	wrdreg s2  }
0xb0: {  	[dreg:$0x4] =	wrdreg $0x9  }
0xb1: {  	_ =	task.clear_ibuf [dreg:s7], $0x5FFFF;
	_ =	strace $0x90000046  }
0xb2: {  	s29 =	simm.s32 $0x9;
	_ =	strace $0x80000048  }
0xb3: {  	_ =	swait.ge [sflag:s29], $0x1  }
0xb4: {  	[sflag:s29] =	ssyncadd.s32 $0xFFFFFFFF  }
0xb5: {  	_ =	strace $0x90000048  }
0xb6: {  	_ =	sfence  }
0xb7: {  	s30 =	sld [smem:$0x0];
	_ =	sdelay $0x2  }
0xb8: {  	s31 =	sshll.u32 s1, $0xD;
	s1 =	sshrl.u32 s1, $0x2  }
0xb9: {  	s3 =	sand.u32 $0x4000, s31;
	s1 =	sadd.s32 s1, s30  }
0xba: {  	s0 =	sor.u32 s3, s0;
	s1 =	sshll.u32 s1, $0x11  }
0xbb: {  	s0 =	sor.u32 s1, s0  }
0xbc: {  	s0 =	sadd.s32 $0x8F2B, s0  }
0xbd: {  	[sflag:s0] =	ssyncadd.remote.s32 $0x1  }
0xbe: {  	_ =	sfence.sel $0xFFFF  }
0xbf: {  	[dreg:$0x0] =	wrdreg $0xFFFFFFFF;
	(pc) =	sbr.abs _section_cstart, $3  }
0xc0: {  	[dreg:$0x1] =	wrdreg $0xFFFFFFFF  }
0xc1: {  	_ =	task.clear_ibuf [dreg:s7], $0x2FFFF;
	_ =	strace $0x9FFFFFFF  }
0xc2: {  	(tm) =	ssettm $0x7FFFFFFF  }
0xc3: {  	_ =	shalt  }
tec
execute0_lowered:
.L_overlay_start_1:
0x0: {  	(tag) =	ssettag $0x1  }
0x1: {  	s1 =	rddreg [dreg:$0x0]  }
0x2: {  	s4 =	rddreg [dreg:$0x1];
	s2 =	simm.s32 $0x0  }
0x3: {  	s11 =	simm.s32 $0x7640;
	[smem:$0x7FF] =	sst s2  }
0x4: {  	s12 =	simm.s32 $0x82C0;
	_ =	strace $0x80000047;
	[dreg:$0x3] =	wrdreg s11  }
0x5: {  	s0 =	srdreg.scid;
	s13 =	simm.s32 $0x8F40;
	[dreg:$0x4] =	wrdreg s12  }
0x6: {  	s6 =	stileid.u32;
	s14 =	simm.s32 $0x9BC0;
	[dreg:$0x5] =	wrdreg s13  }
0x7: {  	s15 =	simm.s32 $0xA840;
	s16 =	simm.s32 $0xB4C0;
	[dreg:$0x6] =	wrdreg s14  }
0x8: {  	s17 =	simm.s32 $0xC140;
	s18 =	simm.s32 $0xCDC0;
	[dreg:$0x7] =	wrdreg s15  }
0x9: {  	s19 =	simm.s32 $0xDA40;
	s20 =	simm.s32 $0xE6C0;
	[dreg:$0x8] =	wrdreg s16  }
0xa: {  	s21 =	simm.s32 $0xF340;
	s22 =	simm.s32 $0xFFC0;
	[dreg:$0x9] =	wrdreg s17  }
0xb: {  	s23 =	simm.s32 $0x10C40;
	s24 =	simm.s32 $0x118C0;
	[dreg:$0xa] =	wrdreg s18  }
0xc: {  	s28 =	simm.s32 $0xED00;
	s29 =	simm.s32 $0xF980;
	[dreg:$0xb] =	wrdreg s19  }
0xd: {  	s30 =	simm.s32 $0x10600;
	s31 =	simm.s32 $0x11280;
	[dreg:$0xc] =	wrdreg s20  }
0xe: {  	s0 =	sand.u32 $0x1, s0;
	s3 =	sshll.u32 s6, $0xA;
	[dreg:$0xd] =	wrdreg s21  }
0xf: {  	s25 =	smul.u32 $0x32000, s6;
	s5 =	sshll.u32 s0, $0x9;
	[dreg:$0xe] =	wrdreg s22  }
0x10: {  	s26 =	ssub.s32 $0x2, s0;
	s0 =	smul.u32 $0x19000, s0;
	[dreg:$0xf] =	wrdreg s23  }
0x11: {  	[dreg:$0x10] =	wrdreg s24;
	s11 =	simm.s32 $0x1;
	s13 =	simm.s32 $0x2  }
0x12: {  	s16 =	simm.s32 $0x7000;
	s18 =	simm.s32 $0x7C80;
	s20 =	simm.s32 $0x8900  }
0x13: {  	s22 =	simm.s32 $0x9580;
	s24 =	simm.s32 $0xA200;
	s3 =	sor.u32 s5, s3  }
0x14: {  	s8 =	sshrl.u32 s26, $0x1;
	s4 =	sadd.s32 s25, s4;
	s5 =	simm.s32 $0x0  }
0x15: {  	s3 =	smul.u32 $0x7, s3;
	s6 =	ssub.s32 s26, s8;
	s26 =	simm.s32 $0x131C0  }
0x16: {  	s8 =	simm.s32 $0x3;
	s9 =	smax.u32 s6, $0x1;
	[dreg:$0x12] =	wrdreg s26  }
0x17: {  	s26 =	simm.s32 $0xE080;
	s7 =	sadd.s32 s3, s1;
	s3 =	sadd.s32 $0xF43600, s1  }
0x18: {  	s1 =	sadd.s32 s25, s1;
	[dreg:$0x14] =	wrdreg s9;
	s25 =	simm.s32 $0x12540  }
0x19: {  	s9 =	simm.s32 $0x32;
	s7 =	sadd.s32 $0x1200, s7;
	[dreg:$0x11] =	wrdreg s25  }
0x1a: {  	s1 =	sadd.s32 s0, s1;
	s0 =	sadd.s32 s0, s4;
	[dreg:$0x13] =	wrdreg s7  }
0x1b: {  	s25 =	simm.s32 $0xD400;
	[dreg:$0x15] =	wrdreg s0;
	s10 =	sadd.s32 $0x1D200, s1  }
0x1c: {  	s1 =	simm.s32 $0x11F00;
	s0 =	simm.s32 $0x12B80;
	[dreg:$0x16] =	wrdreg s10  }
.LBB2_1:
0x1d: {  	[dreg:$0x17] =	wrdreg s5  }
0x1e: {  	s4 =	rddreg [dreg:$0x13]  }
0x1f: {  	[tilespmem:s2], [sflag:$0x3] =	stream.linear.gather [hbm4b:s4+s2], $0x7000, $0x38;
	[tilespmem:$0x13800] =	vst v63  }
0x20: {  	_ =	swait.ge [sflag:s8], $0x7000  }
0x21: {  	[sflag:s8] =	ssyncset.done $0x0  }
0x22: {  	s6 =	simm.s32 $0x7000;
	[sflag:s8] =	ssyncadd.s32 $0xFFFF9000  }
0x23: {  	[tilespmem:s6], [sflag:$0x1] =	stream.indirect.gather [hbm4b:s3+s9], $0x40, s2, s9, $0xb8;
	[tilespmem:$0x13800] =	vst v63  }
0x24: {  	s10 =	simm.s32 $0x38;
	s7 =	simm.s32 $0x7C80  }
0x25: {  	[tilespmem:s7], [sflag:$0x1] =	stream.indirect.gather [hbm4b:s3+s9], $0x40, s10, s9, $0xb8;
	[tilespmem:$0x13800] =	vst v63  }
0x26: {  	s12 =	simm.s32 $0x70;
	s10 =	simm.s32 $0x8900  }
0x27: {  	[tilespmem:s10], [sflag:$0x1] =	stream.indirect.gather [hbm4b:s3+s9], $0x40, s12, s9, $0xb8;
	[tilespmem:$0x13800] =	vst v63  }
0x28: {  	s14 =	simm.s32 $0xA8;
	s12 =	simm.s32 $0x9580  }
0x29: {  	[tilespmem:s12], [sflag:$0x1] =	stream.indirect.gather [hbm4b:s3+s9], $0x40, s14, s9, $0xb8;
	[tilespmem:$0x13800] =	vst v63  }
0x2a: {  	s15 =	simm.s32 $0xE0;
	s14 =	simm.s32 $0xA200  }
0x2b: {  	[tilespmem:s14], [sflag:$0x1] =	stream.indirect.gather [hbm4b:s3+s9], $0x40, s15, s9, $0xb8;
	[tilespmem:$0x13800] =	vst v63  }
0x2c: {  	s17 =	simm.s32 $0x118;
	s15 =	simm.s32 $0xAE80  }
0x2d: {  	[tilespmem:s15], [sflag:$0x1] =	stream.indirect.gather [hbm4b:s3+s9], $0x40, s17, s9, $0xb8;
	[tilespmem:$0x13800] =	vst v63  }
0x2e: {  	s19 =	simm.s32 $0x150;
	s17 =	simm.s32 $0xBB00  }
0x2f: {  	[tilespmem:s17], [sflag:$0x1] =	stream.indirect.gather [hbm4b:s3+s9], $0x40, s19, s9, $0xb8;
	[tilespmem:$0x13800] =	vst v63  }
0x30: {  	s21 =	simm.s32 $0x188;
	s19 =	simm.s32 $0xC780  }
0x31: {  	[tilespmem:s19], [sflag:$0x1] =	stream.indirect.gather [hbm4b:s3+s9], $0x40, s21, s9, $0xb8;
	[tilespmem:$0x13800] =	vst v63  }
0x32: {  	s23 =	simm.s32 $0x1C0  }
0x33: {  	[tilespmem:s25], [sflag:$0x2] =	stream.indirect.gather [hbm4b:s3+s9], $0x40, s23, s9, $0xb8;
	[tilespmem:$0x13800] =	vst v63  }
0x34: {  	s5 =	simm.s32 $0x1F8  }
0x35: {  	[tilespmem:s26], [sflag:$0x2] =	stream.indirect.gather [hbm4b:s3+s9], $0x40, s5, s9, $0xb8;
	[tilespmem:$0x13800] =	vst v63  }
0x36: {  	s21 =	simm.s32 $0x230  }
0x37: {  	[tilespmem:s28], [sflag:$0x2] =	stream.indirect.gather [hbm4b:s3+s9], $0x40, s21, s9, $0xb8;
	[tilespmem:$0x13800] =	vst v63  }
0x38: {  	s23 =	simm.s32 $0x268  }
0x39: {  	[tilespmem:s29], [sflag:$0x2] =	stream.indirect.gather [hbm4b:s3+s9], $0x40, s23, s9, $0xb8;
	[tilespmem:$0x13800] =	vst v63  }
0x3a: {  	s5 =	simm.s32 $0x2A0  }
0x3b: {  	[tilespmem:s30], [sflag:$0x2] =	stream.indirect.gather [hbm4b:s3+s9], $0x40, s5, s9, $0xb8;
	[tilespmem:$0x13800] =	vst v63  }
0x3c: {  	s21 =	simm.s32 $0x2D8  }
0x3d: {  	[tilespmem:s31], [sflag:$0x2] =	stream.indirect.gather [hbm4b:s3+s9], $0x40, s21, s9, $0xb8;
	[tilespmem:$0x13800] =	vst v63  }
0x3e: {  	s23 =	simm.s32 $0x310  }
0x3f: {  	[tilespmem:s1], [sflag:$0x2] =	stream.indirect.gather [hbm4b:s3+s9], $0x40, s23, s9, $0xb8;
	[tilespmem:$0x13800] =	vst v63  }
0x40: {  	s5 =	simm.s32 $0x348  }
0x41: {  	[tilespmem:s0], [sflag:$0x2] =	stream.indirect.gather [hbm4b:s3+s9], $0x40, s5, s9, $0xb8;
	[tilespmem:$0x13800] =	vst v63  }
0x42: {  	_ =	swait.ge [sflag:s11], $0xC80  }
0x43: {  	[sflag:s11] =	ssyncset.done $0x0  }
0x44: {  	[sflag:s11] =	ssyncadd.s32 $0xFFFFF380  }
0x45: {  	_ =	swait.ge [sflag:s11], $0xC80  }
0x46: {  	[sflag:s11] =	ssyncset.done $0x0  }
0x47: {  	[sflag:s11] =	ssyncadd.s32 $0xFFFFF380  }
0x48: {  	_ =	swait.ge [sflag:s11], $0xC80  }
0x49: {  	[sflag:s11] =	ssyncset.done $0x0  }
0x4a: {  	[sflag:s11] =	ssyncadd.s32 $0xFFFFF380  }
0x4b: {  	_ =	swait.ge [sflag:s11], $0xC80  }
0x4c: {  	[sflag:s11] =	ssyncset.done $0x0  }
0x4d: {  	[sflag:s11] =	ssyncadd.s32 $0xFFFFF380  }
0x4e: {  	_ =	swait.ge [sflag:s11], $0xC80  }
0x4f: {  	[sflag:s11] =	ssyncset.done $0x0  }
0x50: {  	[sflag:s11] =	ssyncadd.s32 $0xFFFFF380  }
0x51: {  	_ =	swait.ge [sflag:s11], $0xC80  }
0x52: {  	[sflag:s11] =	ssyncset.done $0x0  }
0x53: {  	[sflag:s11] =	ssyncadd.s32 $0xFFFFF380  }
0x54: {  	_ =	swait.ge [sflag:s11], $0xC80  }
0x55: {  	[sflag:s11] =	ssyncset.done $0x0  }
0x56: {  	[sflag:s11] =	ssyncadd.s32 $0xFFFFF380  }
0x57: {  	_ =	swait.ge [sflag:s11], $0xC80  }
0x58: {  	[sflag:s11] =	ssyncset.done $0x0  }
0x59: {  	s5 =	rddreg [dreg:$0x15];
	[sflag:s11] =	ssyncadd.s32 $0xFFFFF380  }
0x5a: {  	[hbm4b:s5+s2] =	stream.linear.scatter [tilespmem:s6], [sflag:$0x3], $0x640, $0x38;
	[tilespmem:$0x13800] =	vst v63  }
0x5b: {  	s6 =	sadd.s32 $0xC8, s5  }
0x5c: {  	[hbm4b:s6+s2] =	stream.linear.scatter [tilespmem:s7], [sflag:$0x3], $0x640, $0x38;
	[tilespmem:$0x13800] =	vst v63  }
0x5d: {  	s7 =	sadd.s32 $0x190, s5  }
0x5e: {  	[hbm4b:s7+s2] =	stream.linear.scatter [tilespmem:s10], [sflag:$0x3], $0x640, $0x38;
	[tilespmem:$0x13800] =	vst v63  }
0x5f: {  	s10 =	sadd.s32 $0x258, s5  }
0x60: {  	[hbm4b:s10+s2] =	stream.linear.scatter [tilespmem:s12], [sflag:$0x3], $0x640, $0x38;
	[tilespmem:$0x13800] =	vst v63  }
0x61: {  	s21 =	sadd.s32 $0x320, s5  }
0x62: {  	[hbm4b:s21+s2] =	stream.linear.scatter [tilespmem:s14], [sflag:$0x3], $0x640, $0x38;
	[tilespmem:$0x13800] =	vst v63  }
0x63: {  	s23 =	sadd.s32 $0x3E8, s5  }
0x64: {  	[hbm4b:s23+s2] =	stream.linear.scatter [tilespmem:s15], [sflag:$0x3], $0x640, $0x38;
	[tilespmem:$0x13800] =	vst v63  }
0x65: {  	s6 =	sadd.s32 $0x4B0, s5  }
0x66: {  	[hbm4b:s6+s2] =	stream.linear.scatter [tilespmem:s17], [sflag:$0x3], $0x640, $0x38;
	[tilespmem:$0x13800] =	vst v63  }
0x67: {  	s7 =	sadd.s32 $0x578, s5  }
0x68: {  	[hbm4b:s7+s2] =	stream.linear.scatter [tilespmem:s19], [sflag:$0x3], $0x640, $0x38;
	[tilespmem:$0x13800] =	vst v63  }
0x69: {  	_ =	swait.ge [sflag:s8], $0x3200  }
0x6a: {  	s10 =	rddreg [dreg:$0x3];
	[sflag:s8] =	ssyncset.done $0x0  }
0x6b: {  	s6 =	rddreg [dreg:$0x16];
	[sflag:s8] =	ssyncadd.s32 $0xFFFFCE00  }
0x6c: {  	[hbm4b:s6+s2] =	stream.linear.scatter [tilespmem:s10], [sflag:$0x3], $0x640, $0x38;
	[tilespmem:$0x13800] =	vst v63  }
0x6d: {  	s12 =	rddreg [dreg:$0x4];
	s14 =	sadd.s32 $0xC8, s6  }
0x6e: {  	[hbm4b:s14+s2] =	stream.linear.scatter [tilespmem:s12], [sflag:$0x3], $0x640, $0x38;
	[tilespmem:$0x13800] =	vst v63  }
0x6f: {  	s15 =	rddreg [dreg:$0x5];
	s17 =	sadd.s32 $0x190, s6  }
0x70: {  	[hbm4b:s17+s2] =	stream.linear.scatter [tilespmem:s15], [sflag:$0x3], $0x640, $0x38;
	[tilespmem:$0x13800] =	vst v63  }
0x71: {  	s21 =	rddreg [dreg:$0x6];
	s23 =	sadd.s32 $0x258, s6  }
0x72: {  	[hbm4b:s23+s2] =	stream.linear.scatter [tilespmem:s21], [sflag:$0x3], $0x640, $0x38;
	[tilespmem:$0x13800] =	vst v63  }
0x73: {  	s7 =	rddreg [dreg:$0x7];
	s10 =	sadd.s32 $0x320, s6  }
0x74: {  	[hbm4b:s10+s2] =	stream.linear.scatter [tilespmem:s7], [sflag:$0x3], $0x640, $0x38;
	[tilespmem:$0x13800] =	vst v63  }
0x75: {  	s12 =	rddreg [dreg:$0x8];
	s14 =	sadd.s32 $0x3E8, s6  }
0x76: {  	[hbm4b:s14+s2] =	stream.linear.scatter [tilespmem:s12], [sflag:$0x3], $0x640, $0x38;
	[tilespmem:$0x13800] =	vst v63  }
0x77: {  	s15 =	rddreg [dreg:$0x9];
	s21 =	sadd.s32 $0x4B0, s6  }
0x78: {  	[hbm4b:s21+s2] =	stream.linear.scatter [tilespmem:s15], [sflag:$0x3], $0x640, $0x38;
	[tilespmem:$0x13800] =	vst v63  }
0x79: {  	s23 =	rddreg [dreg:$0xa];
	s7 =	sadd.s32 $0x578, s6  }
0x7a: {  	[hbm4b:s7+s2] =	stream.linear.scatter [tilespmem:s23], [sflag:$0x3], $0x640, $0x38;
	[tilespmem:$0x13800] =	vst v63  }
0x7b: {  	p0 =	por $0x0, $0x0;
	_ =	swait.ge [sflag:s8], $0x3200  }
0x7c: {  	s4 =	simm.s32 @!p0 $0x7000;
	[sflag:s8] =	ssyncset.done $0x0  }
0x7d: {  	s19 =	simm.s32 @!p0 $0x32;
	s17 =	simm.s32 @!p0 $0x380;
	[sflag:s8] =	ssyncadd.s32 $0xFFFFCE00  }
0x7e: {  	[tilespmem:s4], [sflag:$0x1] =	stream.indirect.gather @!p0 [hbm4b:s3+s19], $0x40, s17, s19, $0xb8;
	[tilespmem:$0x13800] =	vst v63  }
0x7f: {  	s4 =	simm.s32 @!p0 $0x3B8;
	s17 =	simm.s32 @!p0 $0x7C80  }
0x80: {  	[tilespmem:s17], [sflag:$0x1] =	stream.indirect.gather @!p0 [hbm4b:s3+s19], $0x40, s4, s19, $0xb8;
	[tilespmem:$0x13800] =	vst v63  }
0x81: {  	s4 =	simm.s32 @!p0 $0x3F0;
	s17 =	simm.s32 @!p0 $0x8900  }
0x82: {  	[tilespmem:s17], [sflag:$0x1] =	stream.indirect.gather @!p0 [hbm4b:s3+s19], $0x40, s4, s19, $0xb8;
	[tilespmem:$0x13800] =	vst v63  }
0x83: {  	s4 =	simm.s32 @!p0 $0x428;
	s17 =	simm.s32 @!p0 $0x9580  }
0x84: {  	[tilespmem:s17], [sflag:$0x1] =	stream.indirect.gather @!p0 [hbm4b:s3+s19], $0x40, s4, s19, $0xb8;
	[tilespmem:$0x13800] =	vst v63  }
0x85: {  	s4 =	simm.s32 @!p0 $0x460;
	s17 =	simm.s32 @!p0 $0xA200  }
0x86: {  	[tilespmem:s17], [sflag:$0x1] =	stream.indirect.gather @!p0 [hbm4b:s3+s19], $0x40, s4, s19, $0xb8;
	[tilespmem:$0x13800] =	vst v63  }
0x87: {  	s4 =	simm.s32 @!p0 $0x498;
	s17 =	simm.s32 @!p0 $0xAE80  }
0x88: {  	[tilespmem:s17], [sflag:$0x1] =	stream.indirect.gather @!p0 [hbm4b:s3+s19], $0x40, s4, s19, $0xb8;
	[tilespmem:$0x13800] =	vst v63  }
0x89: {  	s4 =	simm.s32 @!p0 $0x4D0;
	s17 =	simm.s32 @!p0 $0xBB00  }
0x8a: {  	[tilespmem:s17], [sflag:$0x1] =	stream.indirect.gather @!p0 [hbm4b:s3+s19], $0x40, s4, s19, $0xb8;
	[tilespmem:$0x13800] =	vst v63  }
0x8b: {  	s4 =	simm.s32 @!p0 $0x508;
	s17 =	simm.s32 @!p0 $0xC780  }
0x8c: {  	[tilespmem:s17], [sflag:$0x1] =	stream.indirect.gather @!p0 [hbm4b:s3+s19], $0x40, s4, s19, $0xb8;
	[tilespmem:$0x13800] =	vst v63  }
0x8d: {  	_ =	swait.ge [sflag:s13], $0xC80  }
0x8e: {  	[sflag:s13] =	ssyncset.done $0x0  }
0x8f: {  	[sflag:s13] =	ssyncadd.s32 $0xFFFFF380  }
0x90: {  	_ =	swait.ge [sflag:s13], $0xC80  }
0x91: {  	[sflag:s13] =	ssyncset.done $0x0  }
0x92: {  	[sflag:s13] =	ssyncadd.s32 $0xFFFFF380  }
0x93: {  	_ =	swait.ge [sflag:s13], $0xC80  }
0x94: {  	[sflag:s13] =	ssyncset.done $0x0  }
0x95: {  	[sflag:s13] =	ssyncadd.s32 $0xFFFFF380  }
0x96: {  	_ =	swait.ge [sflag:s13], $0xC80  }
0x97: {  	[sflag:s13] =	ssyncset.done $0x0  }
0x98: {  	[sflag:s13] =	ssyncadd.s32 $0xFFFFF380  }
0x99: {  	_ =	swait.ge [sflag:s13], $0xC80  }
0x9a: {  	[sflag:s13] =	ssyncset.done $0x0  }
0x9b: {  	[sflag:s13] =	ssyncadd.s32 $0xFFFFF380  }
0x9c: {  	_ =	swait.ge [sflag:s13], $0xC80  }
0x9d: {  	[sflag:s13] =	ssyncset.done $0x0  }
0x9e: {  	[sflag:s13] =	ssyncadd.s32 $0xFFFFF380  }
0x9f: {  	_ =	swait.ge [sflag:s13], $0xC80  }
0xa0: {  	[sflag:s13] =	ssyncset.done $0x0  }
0xa1: {  	[sflag:s13] =	ssyncadd.s32 $0xFFFFF380  }
0xa2: {  	_ =	swait.ge [sflag:s13], $0xC80  }
0xa3: {  	[sflag:s13] =	ssyncset.done $0x0  }
0xa4: {  	s10 =	sadd.s32 $0x640, s5;
	[sflag:s13] =	ssyncadd.s32 $0xFFFFF380  }
0xa5: {  	[hbm4b:s10+s2] =	stream.linear.scatter [tilespmem:s25], [sflag:$0x3], $0x640, $0x38;
	[tilespmem:$0x13800] =	vst v63  }
0xa6: {  	s12 =	sadd.s32 $0x708, s5  }
0xa7: {  	[hbm4b:s12+s2] =	stream.linear.scatter [tilespmem:s26], [sflag:$0x3], $0x640, $0x38;
	[tilespmem:$0x13800] =	vst v63  }
0xa8: {  	s14 =	sadd.s32 $0x7D0, s5  }
0xa9: {  	[hbm4b:s14+s2] =	stream.linear.scatter [tilespmem:s28], [sflag:$0x3], $0x640, $0x38;
	[tilespmem:$0x13800] =	vst v63  }
0xaa: {  	s15 =	sadd.s32 $0x898, s5  }
0xab: {  	[hbm4b:s15+s2] =	stream.linear.scatter [tilespmem:s29], [sflag:$0x3], $0x640, $0x38;
	[tilespmem:$0x13800] =	vst v63  }
0xac: {  	s17 =	sadd.s32 $0x960, s5  }
0xad: {  	[hbm4b:s17+s2] =	stream.linear.scatter [tilespmem:s30], [sflag:$0x3], $0x640, $0x38;
	[tilespmem:$0x13800] =	vst v63  }
0xae: {  	s19 =	sadd.s32 $0xA28, s5  }
0xaf: {  	[hbm4b:s19+s2] =	stream.linear.scatter [tilespmem:s31], [sflag:$0x3], $0x640, $0x38;
	[tilespmem:$0x13800] =	vst v63  }
0xb0: {  	s21 =	sadd.s32 $0xAF0, s5  }
0xb1: {  	[hbm4b:s21+s2] =	stream.linear.scatter [tilespmem:s1], [sflag:$0x3], $0x640, $0x38;
	[tilespmem:$0x13800] =	vst v63  }
0xb2: {  	s23 =	sadd.s32 $0xBB8, s5  }
0xb3: {  	[hbm4b:s23+s2] =	stream.linear.scatter [tilespmem:s0], [sflag:$0x3], $0x640, $0x38;
	[tilespmem:$0x13800] =	vst v63  }
0xb4: {  	_ =	swait.ge [sflag:s8], $0x3200  }
0xb5: {  	[sflag:s8] =	ssyncset.done $0x0  }
0xb6: {  	s10 =	sadd.s32 $0x640, s6;
	s7 =	rddreg [dreg:$0xb];
	[sflag:s8] =	ssyncadd.s32 $0xFFFFCE00  }
0xb7: {  	[hbm4b:s10+s2] =	stream.linear.scatter [tilespmem:s7], [sflag:$0x3], $0x640, $0x38;
	[tilespmem:$0x13800] =	vst v63  }
0xb8: {  	s14 =	sadd.s32 $0x708, s6;
	s12 =	rddreg [dreg:$0xc]  }
0xb9: {  	[hbm4b:s14+s2] =	stream.linear.scatter [tilespmem:s12], [sflag:$0x3], $0x640, $0x38;
	[tilespmem:$0x13800] =	vst v63  }
0xba: {  	s19 =	sadd.s32 $0x7D0, s6;
	s15 =	rddreg [dreg:$0xd]  }
0xbb: {  	[hbm4b:s19+s2] =	stream.linear.scatter [tilespmem:s15], [sflag:$0x3], $0x640, $0x38;
	[tilespmem:$0x13800] =	vst v63  }
0xbc: {  	s23 =	sadd.s32 $0x898, s6;
	s21 =	rddreg [dreg:$0xe]  }
0xbd: {  	[hbm4b:s23+s2] =	stream.linear.scatter [tilespmem:s21], [sflag:$0x3], $0x640, $0x38;
	[tilespmem:$0x13800] =	vst v63  }
0xbe: {  	s7 =	rddreg [dreg:$0xf];
	s10 =	sadd.s32 $0x960, s6  }
0xbf: {  	[hbm4b:s10+s2] =	stream.linear.scatter [tilespmem:s7], [sflag:$0x3], $0x640, $0x38;
	[tilespmem:$0x13800] =	vst v63  }
0xc0: {  	s12 =	rddreg [dreg:$0x10];
	s14 =	sadd.s32 $0xA28, s6  }
0xc1: {  	[hbm4b:s14+s2] =	stream.linear.scatter [tilespmem:s12], [sflag:$0x3], $0x640, $0x38;
	[tilespmem:$0x13800] =	vst v63  }
0xc2: {  	s15 =	rddreg [dreg:$0x11];
	s19 =	sadd.s32 $0xAF0, s6  }
0xc3: {  	[hbm4b:s19+s2] =	stream.linear.scatter [tilespmem:s15], [sflag:$0x3], $0x640, $0x38;
	[tilespmem:$0x13800] =	vst v63  }
0xc4: {  	s21 =	rddreg [dreg:$0x12];
	s23 =	sadd.s32 $0xBB8, s6  }
0xc5: {  	[hbm4b:s23+s2] =	stream.linear.scatter [tilespmem:s21], [sflag:$0x3], $0x640, $0x38;
	[tilespmem:$0x13800] =	vst v63  }
0xc6: {  	s17 =	sadd.s32 $0xC80, s6;
	s19 =	sadd.s32 $0xC80, s5;
	_ =	swait.ge [sflag:s8], $0x3200  }
0xc7: {  	s21 =	simm.s32 $0xE00;
	s23 =	simm.s32 $0x1C00;
	[sflag:s8] =	ssyncset.done $0x0  }
.LBB2_2:
0xc8: {  	s5 =	sshra.s32 s21, $0x2  }
0xc9: {  	[sflag:s8] =	ssyncadd.s32 $0xFFFFCE00;
	s15 =	sadd.s32 $0x1C0, s5  }
0xca: {  	[tilespmem:s25], [sflag:$0x2] =	stream.indirect.gather [hbm4b:s3+s9], $0x40, s15, s9, $0xb8;
	[tilespmem:$0x13800] =	vst v63  }
0xcb: {  	s6 =	sadd.s32 $0x1F8, s5  }
0xcc: {  	[tilespmem:s26], [sflag:$0x2] =	stream.indirect.gather [hbm4b:s3+s9], $0x40, s6, s9, $0xb8;
	[tilespmem:$0x13800] =	vst v63  }
0xcd: {  	s7 =	sadd.s32 $0x230, s5  }
0xce: {  	[tilespmem:s28], [sflag:$0x2] =	stream.indirect.gather [hbm4b:s3+s9], $0x40, s7, s9, $0xb8;
	[tilespmem:$0x13800] =	vst v63  }
0xcf: {  	s10 =	sadd.s32 $0x268, s5  }
0xd0: {  	[tilespmem:s29], [sflag:$0x2] =	stream.indirect.gather [hbm4b:s3+s9], $0x40, s10, s9, $0xb8;
	[tilespmem:$0x13800] =	vst v63  }
0xd1: {  	s12 =	sadd.s32 $0x2A0, s5  }
0xd2: {  	[tilespmem:s30], [sflag:$0x2] =	stream.indirect.gather [hbm4b:s3+s9], $0x40, s12, s9, $0xb8;
	[tilespmem:$0x13800] =	vst v63  }
0xd3: {  	s14 =	sadd.s32 $0x2D8, s5  }
0xd4: {  	[tilespmem:s31], [sflag:$0x2] =	stream.indirect.gather [hbm4b:s3+s9], $0x40, s14, s9, $0xb8;
	[tilespmem:$0x13800] =	vst v63  }
0xd5: {  	s6 =	sadd.s32 $0x310, s5  }
0xd6: {  	[tilespmem:s1], [sflag:$0x2] =	stream.indirect.gather [hbm4b:s3+s9], $0x40, s6, s9, $0xb8;
	[tilespmem:$0x13800] =	vst v63  }
0xd7: {  	s5 =	sadd.s32 $0x348, s5  }
0xd8: {  	[tilespmem:s0], [sflag:$0x2] =	stream.indirect.gather [hbm4b:s3+s9], $0x40, s5, s9, $0xb8;
	[tilespmem:$0x13800] =	vst v63  }
0xd9: {  	_ =	swait.ge [sflag:s11], $0xC80  }
0xda: {  	[sflag:s11] =	ssyncset.done $0x0  }
0xdb: {  	[sflag:s11] =	ssyncadd.s32 $0xFFFFF380  }
0xdc: {  	_ =	swait.ge [sflag:s11], $0xC80  }
0xdd: {  	[sflag:s11] =	ssyncset.done $0x0  }
0xde: {  	[sflag:s11] =	ssyncadd.s32 $0xFFFFF380  }
0xdf: {  	_ =	swait.ge [sflag:s11], $0xC80  }
0xe0: {  	[sflag:s11] =	ssyncset.done $0x0  }
0xe1: {  	[sflag:s11] =	ssyncadd.s32 $0xFFFFF380  }
0xe2: {  	_ =	swait.ge [sflag:s11], $0xC80  }
0xe3: {  	[sflag:s11] =	ssyncset.done $0x0  }
0xe4: {  	[sflag:s11] =	ssyncadd.s32 $0xFFFFF380  }
0xe5: {  	_ =	swait.ge [sflag:s11], $0xC80  }
0xe6: {  	[sflag:s11] =	ssyncset.done $0x0  }
0xe7: {  	[sflag:s11] =	ssyncadd.s32 $0xFFFFF380  }
0xe8: {  	_ =	swait.ge [sflag:s11], $0xC80  }
0xe9: {  	[sflag:s11] =	ssyncset.done $0x0  }
0xea: {  	[sflag:s11] =	ssyncadd.s32 $0xFFFFF380  }
0xeb: {  	_ =	swait.ge [sflag:s11], $0xC80  }
0xec: {  	[sflag:s11] =	ssyncset.done $0x0  }
0xed: {  	[sflag:s11] =	ssyncadd.s32 $0xFFFFF380  }
0xee: {  	_ =	swait.ge [sflag:s11], $0xC80  }
0xef: {  	[sflag:s11] =	ssyncset.done $0x0  }
0xf0: {  	[sflag:s11] =	ssyncadd.s32 $0xFFFFF380  }
0xf1: {  	[hbm4b:s19+s2] =	stream.linear.scatter [tilespmem:s16], [sflag:$0x3], $0x640, $0x38;
	[tilespmem:$0x13800] =	vst v63  }
0xf2: {  	s7 =	sadd.s32 $0xC8, s19  }
0xf3: {  	[hbm4b:s7+s2] =	stream.linear.scatter [tilespmem:s18], [sflag:$0x3], $0x640, $0x38;
	[tilespmem:$0x13800] =	vst v63  }
0xf4: {  	s10 =	sadd.s32 $0x190, s19  }
0xf5: {  	[hbm4b:s10+s2] =	stream.linear.scatter [tilespmem:s20], [sflag:$0x3], $0x640, $0x38;
	[tilespmem:$0x13800] =	vst v63  }
0xf6: {  	s12 =	sadd.s32 $0x258, s19  }
0xf7: {  	[hbm4b:s12+s2] =	stream.linear.scatter [tilespmem:s22], [sflag:$0x3], $0x640, $0x38;
	[tilespmem:$0x13800] =	vst v63  }
0xf8: {  	s14 =	sadd.s32 $0x320, s19  }
0xf9: {  	[hbm4b:s14+s2] =	stream.linear.scatter [tilespmem:s24], [sflag:$0x3], $0x640, $0x38;
	[tilespmem:$0x13800] =	vst v63  }
0xfa: {  	s15 =	sadd.s32 $0x3E8, s19;
	s6 =	simm.s32 $0xAE80  }
0xfb: {  	[hbm4b:s15+s2] =	stream.linear.scatter [tilespmem:s6], [sflag:$0x3], $0x640, $0x38;
	[tilespmem:$0x13800] =	vst v63  }
0xfc: {  	s7 =	sadd.s32 $0x4B0, s19;
	s10 =	simm.s32 $0xBB00  }
0xfd: {  	[hbm4b:s7+s2] =	stream.linear.scatter [tilespmem:s10], [sflag:$0x3], $0x640, $0x38;
	[tilespmem:$0x13800] =	vst v63  }
0xfe: {  	s12 =	sadd.s32 $0x578, s19;
	s14 =	simm.s32 $0xC780  }
0xff: {  	[hbm4b:s12+s2] =	stream.linear.scatter [tilespmem:s14], [sflag:$0x3], $0x640, $0x38;
	[tilespmem:$0x13800] =	vst v63  }
0x100: {  	_ =	swait.ge [sflag:s8], $0x3200  }
0x101: {  	[sflag:s8] =	ssyncset.done $0x0  }
0x102: {  	s15 =	rddreg [dreg:$0x3];
	[sflag:s8] =	ssyncadd.s32 $0xFFFFCE00  }
0x103: {  	[hbm4b:s17+s2] =	stream.linear.scatter [tilespmem:s15], [sflag:$0x3], $0x640, $0x38;
	[tilespmem:$0x13800] =	vst v63  }
0x104: {  	s7 =	sadd.s32 $0xC8, s17;
	s6 =	rddreg [dreg:$0x4]  }
0x105: {  	[hbm4b:s7+s2] =	stream.linear.scatter [tilespmem:s6], [sflag:$0x3], $0x640, $0x38;
	[tilespmem:$0x13800] =	vst v63  }
0x106: {  	s12 =	sadd.s32 $0x190, s17;
	s10 =	rddreg [dreg:$0x5]  }
0x107: {  	[hbm4b:s12+s2] =	stream.linear.scatter [tilespmem:s10], [sflag:$0x3], $0x640, $0x38;
	[tilespmem:$0x13800] =	vst v63  }
0x108: {  	s14 =	rddreg [dreg:$0x6];
	s7 =	sadd.s32 $0x258, s17  }
0x109: {  	[hbm4b:s7+s2] =	stream.linear.scatter [tilespmem:s14], [sflag:$0x3], $0x640, $0x38;
	[tilespmem:$0x13800] =	vst v63  }
0x10a: {  	s10 =	rddreg [dreg:$0x7];
	s12 =	sadd.s32 $0x320, s17  }
0x10b: {  	[hbm4b:s12+s2] =	stream.linear.scatter [tilespmem:s10], [sflag:$0x3], $0x640, $0x38;
	[tilespmem:$0x13800] =	vst v63  }
0x10c: {  	s6 =	sadd.s32 $0x3E8, s17;
	s14 =	rddreg [dreg:$0x8]  }
0x10d: {  	[hbm4b:s6+s2] =	stream.linear.scatter [tilespmem:s14], [sflag:$0x3], $0x640, $0x38;
	[tilespmem:$0x13800] =	vst v63  }
0x10e: {  	s7 =	rddreg [dreg:$0x9];
	s10 =	sadd.s32 $0x4B0, s17  }
0x10f: {  	[hbm4b:s10+s2] =	stream.linear.scatter [tilespmem:s7], [sflag:$0x3], $0x640, $0x38;
	[tilespmem:$0x13800] =	vst v63  }
0x110: {  	p1 =	seq.s32 s21, $0x1B200;
	s12 =	rddreg [dreg:$0xa];
	s14 =	sadd.s32 $0x578, s17  }
0x111: {  	[hbm4b:s14+s2] =	stream.linear.scatter [tilespmem:s12], [sflag:$0x3], $0x640, $0x38;
	[tilespmem:$0x13800] =	vst v63  }
0x112: {  	s5 =	sshra.s32 @!p1 s21, $0x2;
	_ =	swait.ge [sflag:s8], $0x3200  }
0x113: {  	s15 =	sadd.s32 @!p1 $0x380, s5;
	[sflag:s8] =	ssyncset.done $0x0  }
0x114: {  	s6 =	simm.s32 @!p1 $0x7000;
	s7 =	simm.s32 @!p1 $0x32;
	[sflag:s8] =	ssyncadd.s32 $0xFFFFCE00  }
0x115: {  	[tilespmem:s6], [sflag:$0x1] =	stream.indirect.gather @!p1 [hbm4b:s3+s7], $0x40, s15, s7, $0xb8;
	[tilespmem:$0x13800] =	vst v63  }
0x116: {  	s6 =	sadd.s32 @!p1 $0x3B8, s5;
	s15 =	simm.s32 @!p1 $0x7C80  }
0x117: {  	[tilespmem:s15], [sflag:$0x1] =	stream.indirect.gather @!p1 [hbm4b:s3+s7], $0x40, s6, s7, $0xb8;
	[tilespmem:$0x13800] =	vst v63  }
0x118: {  	s21 =	sadd.s32 @!p1 $0x3F0, s5;
	s6 =	simm.s32 @!p1 $0x8900  }
0x119: {  	[tilespmem:s6], [sflag:$0x1] =	stream.indirect.gather @!p1 [hbm4b:s3+s7], $0x40, s21, s7, $0xb8;
	[tilespmem:$0x13800] =	vst v63  }
0x11a: {  	s15 =	sadd.s32 @!p1 $0x428, s5;
	s6 =	simm.s32 @!p1 $0x9580  }
0x11b: {  	[tilespmem:s6], [sflag:$0x1] =	stream.indirect.gather @!p1 [hbm4b:s3+s7], $0x40, s15, s7, $0xb8;
	[tilespmem:$0x13800] =	vst v63  }
0x11c: {  	s4 =	smov.u32 s23;
	s10 =	sadd.s32 @!p1 $0x460, s5;
	s6 =	simm.s32 @!p1 $0xA200  }
0x11d: {  	[tilespmem:s6], [sflag:$0x1] =	stream.indirect.gather @!p1 [hbm4b:s3+s7], $0x40, s10, s7, $0xb8;
	[tilespmem:$0x13800] =	vst v63  }
0x11e: {  	s12 =	sadd.s32 @!p1 $0x498, s5;
	s21 =	smov.u32 s4;
	s4 =	simm.s32 @!p1 $0xAE80  }
0x11f: {  	[tilespmem:s4], [sflag:$0x1] =	stream.indirect.gather @!p1 [hbm4b:s3+s7], $0x40, s12, s7, $0xb8;
	[tilespmem:$0x13800] =	vst v63  }
0x120: {  	s14 =	sadd.s32 @!p1 $0x4D0, s5;
	s4 =	simm.s32 @!p1 $0xBB00  }
0x121: {  	[tilespmem:s4], [sflag:$0x1] =	stream.indirect.gather @!p1 [hbm4b:s3+s7], $0x40, s14, s7, $0xb8;
	[tilespmem:$0x13800] =	vst v63  }
0x122: {  	s5 =	sadd.s32 @!p1 $0x508, s5;
	s4 =	simm.s32 @!p1 $0xC780  }
0x123: {  	[tilespmem:s4], [sflag:$0x1] =	stream.indirect.gather @!p1 [hbm4b:s3+s7], $0x40, s5, s7, $0xb8;
	[tilespmem:$0x13800] =	vst v63  }
0x124: {  	_ =	swait.ge [sflag:s13], $0xC80  }
0x125: {  	[sflag:s13] =	ssyncset.done $0x0  }
0x126: {  	[sflag:s13] =	ssyncadd.s32 $0xFFFFF380  }
0x127: {  	_ =	swait.ge [sflag:s13], $0xC80  }
0x128: {  	[sflag:s13] =	ssyncset.done $0x0  }
0x129: {  	[sflag:s13] =	ssyncadd.s32 $0xFFFFF380  }
0x12a: {  	_ =	swait.ge [sflag:s13], $0xC80  }
0x12b: {  	[sflag:s13] =	ssyncset.done $0x0  }
0x12c: {  	[sflag:s13] =	ssyncadd.s32 $0xFFFFF380  }
0x12d: {  	_ =	swait.ge [sflag:s13], $0xC80  }
0x12e: {  	[sflag:s13] =	ssyncset.done $0x0  }
0x12f: {  	[sflag:s13] =	ssyncadd.s32 $0xFFFFF380  }
0x130: {  	_ =	swait.ge [sflag:s13], $0xC80  }
0x131: {  	[sflag:s13] =	ssyncset.done $0x0  }
0x132: {  	[sflag:s13] =	ssyncadd.s32 $0xFFFFF380  }
0x133: {  	_ =	swait.ge [sflag:s13], $0xC80  }
0x134: {  	[sflag:s13] =	ssyncset.done $0x0  }
0x135: {  	[sflag:s13] =	ssyncadd.s32 $0xFFFFF380  }
0x136: {  	_ =	swait.ge [sflag:s13], $0xC80  }
0x137: {  	[sflag:s13] =	ssyncset.done $0x0  }
0x138: {  	[sflag:s13] =	ssyncadd.s32 $0xFFFFF380  }
0x139: {  	_ =	swait.ge [sflag:s13], $0xC80  }
0x13a: {  	[sflag:s13] =	ssyncset.done $0x0  }
0x13b: {  	s6 =	sadd.s32 $0x640, s19;
	[sflag:s13] =	ssyncadd.s32 $0xFFFFF380  }
0x13c: {  	[hbm4b:s6+s2] =	stream.linear.scatter [tilespmem:s25], [sflag:$0x3], $0x640, $0x38;
	[tilespmem:$0x13800] =	vst v63  }
0x13d: {  	s7 =	sadd.s32 $0x708, s19  }
0x13e: {  	[hbm4b:s7+s2] =	stream.linear.scatter [tilespmem:s26], [sflag:$0x3], $0x640, $0x38;
	[tilespmem:$0x13800] =	vst v63  }
0x13f: {  	s10 =	sadd.s32 $0x7D0, s19  }
0x140: {  	[hbm4b:s10+s2] =	stream.linear.scatter [tilespmem:s28], [sflag:$0x3], $0x640, $0x38;
	[tilespmem:$0x13800] =	vst v63  }
0x141: {  	s12 =	sadd.s32 $0x898, s19  }
0x142: {  	[hbm4b:s12+s2] =	stream.linear.scatter [tilespmem:s29], [sflag:$0x3], $0x640, $0x38;
	[tilespmem:$0x13800] =	vst v63  }
0x143: {  	s14 =	sadd.s32 $0x960, s19  }
0x144: {  	[hbm4b:s14+s2] =	stream.linear.scatter [tilespmem:s30], [sflag:$0x3], $0x640, $0x38;
	[tilespmem:$0x13800] =	vst v63  }
0x145: {  	s15 =	sadd.s32 $0xA28, s19  }
0x146: {  	[hbm4b:s15+s2] =	stream.linear.scatter [tilespmem:s31], [sflag:$0x3], $0x640, $0x38;
	[tilespmem:$0x13800] =	vst v63  }
0x147: {  	s5 =	sadd.s32 $0xAF0, s19  }
0x148: {  	[hbm4b:s5+s2] =	stream.linear.scatter [tilespmem:s1], [sflag:$0x3], $0x640, $0x38;
	[tilespmem:$0x13800] =	vst v63  }
0x149: {  	s6 =	sadd.s32 $0xBB8, s19  }
0x14a: {  	[hbm4b:s6+s2] =	stream.linear.scatter [tilespmem:s0], [sflag:$0x3], $0x640, $0x38;
	[tilespmem:$0x13800] =	vst v63  }
0x14b: {  	_ =	swait.ge [sflag:s8], $0x3200  }
0x14c: {  	[sflag:s8] =	ssyncset.done $0x0  }
0x14d: {  	s10 =	sadd.s32 $0x640, s17;
	s7 =	rddreg [dreg:$0xb];
	[sflag:s8] =	ssyncadd.s32 $0xFFFFCE00  }
0x14e: {  	[hbm4b:s10+s2] =	stream.linear.scatter [tilespmem:s7], [sflag:$0x3], $0x640, $0x38;
	[tilespmem:$0x13800] =	vst v63  }
0x14f: {  	s14 =	sadd.s32 $0x708, s17;
	s12 =	rddreg [dreg:$0xc]  }
0x150: {  	[hbm4b:s14+s2] =	stream.linear.scatter [tilespmem:s12], [sflag:$0x3], $0x640, $0x38;
	[tilespmem:$0x13800] =	vst v63  }
0x151: {  	s6 =	sadd.s32 $0x7D0, s17;
	s15 =	rddreg [dreg:$0xd]  }
0x152: {  	[hbm4b:s6+s2] =	stream.linear.scatter [tilespmem:s15], [sflag:$0x3], $0x640, $0x38;
	[tilespmem:$0x13800] =	vst v63  }
0x153: {  	s7 =	rddreg [dreg:$0xe];
	s10 =	sadd.s32 $0x898, s17  }
0x154: {  	[hbm4b:s10+s2] =	stream.linear.scatter [tilespmem:s7], [sflag:$0x3], $0x640, $0x38;
	[tilespmem:$0x13800] =	vst v63  }
0x155: {  	s12 =	rddreg [dreg:$0xf];
	s14 =	sadd.s32 $0x960, s17  }
0x156: {  	[hbm4b:s14+s2] =	stream.linear.scatter [tilespmem:s12], [sflag:$0x3], $0x640, $0x38;
	[tilespmem:$0x13800] =	vst v63  }
0x157: {  	s23 =	sadd.s32 $0xE00, s23;
	s15 =	rddreg [dreg:$0x10];
	s7 =	sadd.s32 $0xA28, s17  }
0x158: {  	[hbm4b:s7+s2] =	stream.linear.scatter [tilespmem:s15], [sflag:$0x3], $0x640, $0x38;
	[tilespmem:$0x13800] =	vst v63  }
0x159: {  	p0 =	sne.s32 s23, $0x1C000;
	s10 =	rddreg [dreg:$0x11];
	s12 =	sadd.s32 $0xAF0, s17  }
0x15a: {  	[hbm4b:s12+s2] =	stream.linear.scatter [tilespmem:s10], [sflag:$0x3], $0x640, $0x38;
	[tilespmem:$0x13800] =	vst v63  }
.Ltmp0:
0x15b: {  	_ = 	snop;
	(pc) =	sbr.rel @p0 .LBB2_2-.Ltmp0, $4  }
0x15c: {  	s14 =	rddreg [dreg:$0x12];
	s15 =	sadd.s32 $0xBB8, s17  }
0x15d: {  	[hbm4b:s15+s2] =	stream.linear.scatter [tilespmem:s14], [sflag:$0x3], $0x640, $0x38;
	[tilespmem:$0x13800] =	vst v63  }
0x15e: {  	_ =	swait.ge [sflag:s8], $0x3200  }
0x15f: {  	s19 =	sadd.s32 $0xC80, s19;
	s17 =	sadd.s32 $0xC80, s17;
	[sflag:s8] =	ssyncset.done $0x0  }
0x160: {  	s4 =	sshra.s32 s21, $0x2  }
0x161: {  	[sflag:s8] =	ssyncadd.s32 $0xFFFFCE00;
	s5 =	sadd.s32 $0x1C0, s4  }
0x162: {  	[tilespmem:s25], [sflag:$0x2] =	stream.indirect.gather [hbm4b:s3+s9], $0x40, s5, s9, $0xb8;
	[tilespmem:$0x13800] =	vst v63  }
0x163: {  	s23 =	sadd.s32 $0x1F8, s4  }
0x164: {  	[tilespmem:s26], [sflag:$0x2] =	stream.indirect.gather [hbm4b:s3+s9], $0x40, s23, s9, $0xb8;
	[tilespmem:$0x13800] =	vst v63  }
0x165: {  	s6 =	sadd.s32 $0x230, s4  }
0x166: {  	[tilespmem:s28], [sflag:$0x2] =	stream.indirect.gather [hbm4b:s3+s9], $0x40, s6, s9, $0xb8;
	[tilespmem:$0x13800] =	vst v63  }
0x167: {  	s7 =	sadd.s32 $0x268, s4  }
0x168: {  	[tilespmem:s29], [sflag:$0x2] =	stream.indirect.gather [hbm4b:s3+s9], $0x40, s7, s9, $0xb8;
	[tilespmem:$0x13800] =	vst v63  }
0x169: {  	s10 =	sadd.s32 $0x2A0, s4  }
0x16a: {  	[tilespmem:s30], [sflag:$0x2] =	stream.indirect.gather [hbm4b:s3+s9], $0x40, s10, s9, $0xb8;
	[tilespmem:$0x13800] =	vst v63  }
0x16b: {  	s12 =	sadd.s32 $0x2D8, s4  }
0x16c: {  	[tilespmem:s31], [sflag:$0x2] =	stream.indirect.gather [hbm4b:s3+s9], $0x40, s12, s9, $0xb8;
	[tilespmem:$0x13800] =	vst v63  }
0x16d: {  	s14 =	sadd.s32 $0x310, s4  }
0x16e: {  	[tilespmem:s1], [sflag:$0x2] =	stream.indirect.gather [hbm4b:s3+s9], $0x40, s14, s9, $0xb8;
	[tilespmem:$0x13800] =	vst v63  }
0x16f: {  	s4 =	sadd.s32 $0x348, s4  }
0x170: {  	[tilespmem:s0], [sflag:$0x2] =	stream.indirect.gather [hbm4b:s3+s9], $0x40, s4, s9, $0xb8;
	[tilespmem:$0x13800] =	vst v63  }
0x171: {  	_ =	swait.ge [sflag:s11], $0xC80  }
0x172: {  	[sflag:s11] =	ssyncset.done $0x0  }
0x173: {  	[sflag:s11] =	ssyncadd.s32 $0xFFFFF380  }
0x174: {  	_ =	swait.ge [sflag:s11], $0xC80  }
0x175: {  	[sflag:s11] =	ssyncset.done $0x0  }
0x176: {  	[sflag:s11] =	ssyncadd.s32 $0xFFFFF380  }
0x177: {  	_ =	swait.ge [sflag:s11], $0xC80  }
0x178: {  	[sflag:s11] =	ssyncset.done $0x0  }
0x179: {  	[sflag:s11] =	ssyncadd.s32 $0xFFFFF380  }
0x17a: {  	_ =	swait.ge [sflag:s11], $0xC80  }
0x17b: {  	[sflag:s11] =	ssyncset.done $0x0  }
0x17c: {  	[sflag:s11] =	ssyncadd.s32 $0xFFFFF380  }
0x17d: {  	_ =	swait.ge [sflag:s11], $0xC80  }
0x17e: {  	[sflag:s11] =	ssyncset.done $0x0  }
0x17f: {  	[sflag:s11] =	ssyncadd.s32 $0xFFFFF380  }
0x180: {  	_ =	swait.ge [sflag:s11], $0xC80  }
0x181: {  	[sflag:s11] =	ssyncset.done $0x0  }
0x182: {  	[sflag:s11] =	ssyncadd.s32 $0xFFFFF380  }
0x183: {  	_ =	swait.ge [sflag:s11], $0xC80  }
0x184: {  	[sflag:s11] =	ssyncset.done $0x0  }
0x185: {  	[sflag:s11] =	ssyncadd.s32 $0xFFFFF380  }
0x186: {  	_ =	swait.ge [sflag:s11], $0xC80  }
0x187: {  	[sflag:s11] =	ssyncset.done $0x0  }
0x188: {  	[sflag:s11] =	ssyncadd.s32 $0xFFFFF380  }
0x189: {  	[hbm4b:s19+s2] =	stream.linear.scatter [tilespmem:s16], [sflag:$0x3], $0x640, $0x38;
	[tilespmem:$0x13800] =	vst v63  }
0x18a: {  	s15 =	sadd.s32 $0xC8, s19  }
0x18b: {  	[hbm4b:s15+s2] =	stream.linear.scatter [tilespmem:s18], [sflag:$0x3], $0x640, $0x38;
	[tilespmem:$0x13800] =	vst v63  }
0x18c: {  	s23 =	sadd.s32 $0x190, s19  }
0x18d: {  	[hbm4b:s23+s2] =	stream.linear.scatter [tilespmem:s20], [sflag:$0x3], $0x640, $0x38;
	[tilespmem:$0x13800] =	vst v63  }
0x18e: {  	s5 =	sadd.s32 $0x258, s19  }
0x18f: {  	[hbm4b:s5+s2] =	stream.linear.scatter [tilespmem:s22], [sflag:$0x3], $0x640, $0x38;
	[tilespmem:$0x13800] =	vst v63  }
0x190: {  	s6 =	sadd.s32 $0x320, s19  }
0x191: {  	[hbm4b:s6+s2] =	stream.linear.scatter [tilespmem:s24], [sflag:$0x3], $0x640, $0x38;
	[tilespmem:$0x13800] =	vst v63  }
0x192: {  	s7 =	sadd.s32 $0x3E8, s19;
	s10 =	simm.s32 $0xAE80  }
0x193: {  	[hbm4b:s7+s2] =	stream.linear.scatter [tilespmem:s10], [sflag:$0x3], $0x640, $0x38;
	[tilespmem:$0x13800] =	vst v63  }
0x194: {  	s12 =	sadd.s32 $0x4B0, s19;
	s14 =	simm.s32 $0xBB00  }
0x195: {  	[hbm4b:s12+s2] =	stream.linear.scatter [tilespmem:s14], [sflag:$0x3], $0x640, $0x38;
	[tilespmem:$0x13800] =	vst v63  }
0x196: {  	s15 =	sadd.s32 $0x578, s19;
	s23 =	simm.s32 $0xC780  }
0x197: {  	[hbm4b:s15+s2] =	stream.linear.scatter [tilespmem:s23], [sflag:$0x3], $0x640, $0x38;
	[tilespmem:$0x13800] =	vst v63  }
0x198: {  	_ =	swait.ge [sflag:s8], $0x3200  }
0x199: {  	[sflag:s8] =	ssyncset.done $0x0  }
0x19a: {  	s6 =	rddreg [dreg:$0x3];
	[sflag:s8] =	ssyncadd.s32 $0xFFFFCE00  }
0x19b: {  	[hbm4b:s17+s2] =	stream.linear.scatter [tilespmem:s6], [sflag:$0x3], $0x640, $0x38;
	[tilespmem:$0x13800] =	vst v63  }
0x19c: {  	s10 =	sadd.s32 $0xC8, s17;
	s7 =	rddreg [dreg:$0x4]  }
0x19d: {  	[hbm4b:s10+s2] =	stream.linear.scatter [tilespmem:s7], [sflag:$0x3], $0x640, $0x38;
	[tilespmem:$0x13800] =	vst v63  }
0x19e: {  	s12 =	sadd.s32 $0x190, s17;
	s6 =	rddreg [dreg:$0x5]  }
0x19f: {  	[hbm4b:s12+s2] =	stream.linear.scatter [tilespmem:s6], [sflag:$0x3], $0x640, $0x38;
	[tilespmem:$0x13800] =	vst v63  }
0x1a0: {  	s15 =	sadd.s32 $0x258, s17;
	s14 =	rddreg [dreg:$0x6]  }
0x1a1: {  	[hbm4b:s15+s2] =	stream.linear.scatter [tilespmem:s14], [sflag:$0x3], $0x640, $0x38;
	[tilespmem:$0x13800] =	vst v63  }
0x1a2: {  	s23 =	rddreg [dreg:$0x7];
	s7 =	sadd.s32 $0x320, s17  }
0x1a3: {  	[hbm4b:s7+s2] =	stream.linear.scatter [tilespmem:s23], [sflag:$0x3], $0x640, $0x38;
	[tilespmem:$0x13800] =	vst v63  }
0x1a4: {  	s10 =	rddreg [dreg:$0x8];
	s12 =	sadd.s32 $0x3E8, s17  }
0x1a5: {  	[hbm4b:s12+s2] =	stream.linear.scatter [tilespmem:s10], [sflag:$0x3], $0x640, $0x38;
	[tilespmem:$0x13800] =	vst v63  }
0x1a6: {  	s14 =	rddreg [dreg:$0x9];
	s15 =	sadd.s32 $0x4B0, s17  }
0x1a7: {  	[hbm4b:s15+s2] =	stream.linear.scatter [tilespmem:s14], [sflag:$0x3], $0x640, $0x38;
	[tilespmem:$0x13800] =	vst v63  }
0x1a8: {  	s6 =	sadd.s32 $0x578, s17;
	s23 =	rddreg [dreg:$0xa]  }
0x1a9: {  	[hbm4b:s6+s2] =	stream.linear.scatter [tilespmem:s23], [sflag:$0x3], $0x640, $0x38;
	[tilespmem:$0x13800] =	vst v63  }
0x1aa: {  	p0 =	seq.s32 s21, $0x1B200;
	_ =	swait.ge [sflag:s8], $0x3200  }
0x1ab: {  	s4 =	sshra.s32 @!p0 s21, $0x2;
	s5 =	simm.s32 @!p0 $0x7000;
	[sflag:s8] =	ssyncset.done $0x0  }
0x1ac: {  	s7 =	simm.s32 @!p0 $0x32;
	s6 =	sadd.s32 @!p0 $0x380, s4;
	[sflag:s8] =	ssyncadd.s32 $0xFFFFCE00  }
0x1ad: {  	[tilespmem:s5], [sflag:$0x1] =	stream.indirect.gather @!p0 [hbm4b:s3+s7], $0x40, s6, s7, $0xb8;
	[tilespmem:$0x13800] =	vst v63  }
0x1ae: {  	s5 =	sadd.s32 @!p0 $0x3B8, s4;
	s6 =	simm.s32 @!p0 $0x7C80  }
0x1af: {  	[tilespmem:s6], [sflag:$0x1] =	stream.indirect.gather @!p0 [hbm4b:s3+s7], $0x40, s5, s7, $0xb8;
	[tilespmem:$0x13800] =	vst v63  }
0x1b0: {  	s5 =	sadd.s32 @!p0 $0x3F0, s4;
	s6 =	simm.s32 @!p0 $0x8900  }
0x1b1: {  	[tilespmem:s6], [sflag:$0x1] =	stream.indirect.gather @!p0 [hbm4b:s3+s7], $0x40, s5, s7, $0xb8;
	[tilespmem:$0x13800] =	vst v63  }
0x1b2: {  	s5 =	sadd.s32 @!p0 $0x428, s4;
	s6 =	simm.s32 @!p0 $0x9580  }
0x1b3: {  	[tilespmem:s6], [sflag:$0x1] =	stream.indirect.gather @!p0 [hbm4b:s3+s7], $0x40, s5, s7, $0xb8;
	[tilespmem:$0x13800] =	vst v63  }
0x1b4: {  	s5 =	sadd.s32 @!p0 $0x460, s4;
	s6 =	simm.s32 @!p0 $0xA200  }
0x1b5: {  	[tilespmem:s6], [sflag:$0x1] =	stream.indirect.gather @!p0 [hbm4b:s3+s7], $0x40, s5, s7, $0xb8;
	[tilespmem:$0x13800] =	vst v63  }
0x1b6: {  	s5 =	sadd.s32 @!p0 $0x498, s4;
	s6 =	simm.s32 @!p0 $0xAE80  }
0x1b7: {  	[tilespmem:s6], [sflag:$0x1] =	stream.indirect.gather @!p0 [hbm4b:s3+s7], $0x40, s5, s7, $0xb8;
	[tilespmem:$0x13800] =	vst v63  }
0x1b8: {  	s5 =	sadd.s32 @!p0 $0x4D0, s4;
	s6 =	simm.s32 @!p0 $0xBB00  }
0x1b9: {  	[tilespmem:s6], [sflag:$0x1] =	stream.indirect.gather @!p0 [hbm4b:s3+s7], $0x40, s5, s7, $0xb8;
	[tilespmem:$0x13800] =	vst v63  }
0x1ba: {  	s4 =	sadd.s32 @!p0 $0x508, s4;
	s5 =	simm.s32 @!p0 $0xC780  }
0x1bb: {  	[tilespmem:s5], [sflag:$0x1] =	stream.indirect.gather @!p0 [hbm4b:s3+s7], $0x40, s4, s7, $0xb8;
	[tilespmem:$0x13800] =	vst v63  }
0x1bc: {  	_ =	swait.ge [sflag:s13], $0xC80  }
0x1bd: {  	[sflag:s13] =	ssyncset.done $0x0  }
0x1be: {  	[sflag:s13] =	ssyncadd.s32 $0xFFFFF380  }
0x1bf: {  	_ =	swait.ge [sflag:s13], $0xC80  }
0x1c0: {  	[sflag:s13] =	ssyncset.done $0x0  }
0x1c1: {  	[sflag:s13] =	ssyncadd.s32 $0xFFFFF380  }
0x1c2: {  	_ =	swait.ge [sflag:s13], $0xC80  }
0x1c3: {  	[sflag:s13] =	ssyncset.done $0x0  }
0x1c4: {  	[sflag:s13] =	ssyncadd.s32 $0xFFFFF380  }
0x1c5: {  	_ =	swait.ge [sflag:s13], $0xC80  }
0x1c6: {  	[sflag:s13] =	ssyncset.done $0x0  }
0x1c7: {  	[sflag:s13] =	ssyncadd.s32 $0xFFFFF380  }
0x1c8: {  	_ =	swait.ge [sflag:s13], $0xC80  }
0x1c9: {  	[sflag:s13] =	ssyncset.done $0x0  }
0x1ca: {  	[sflag:s13] =	ssyncadd.s32 $0xFFFFF380  }
0x1cb: {  	_ =	swait.ge [sflag:s13], $0xC80  }
0x1cc: {  	[sflag:s13] =	ssyncset.done $0x0  }
0x1cd: {  	[sflag:s13] =	ssyncadd.s32 $0xFFFFF380  }
0x1ce: {  	_ =	swait.ge [sflag:s13], $0xC80  }
0x1cf: {  	[sflag:s13] =	ssyncset.done $0x0  }
0x1d0: {  	[sflag:s13] =	ssyncadd.s32 $0xFFFFF380  }
0x1d1: {  	_ =	swait.ge [sflag:s13], $0xC80  }
0x1d2: {  	[sflag:s13] =	ssyncset.done $0x0  }
0x1d3: {  	s7 =	sadd.s32 $0x640, s19;
	[sflag:s13] =	ssyncadd.s32 $0xFFFFF380  }
0x1d4: {  	[hbm4b:s7+s2] =	stream.linear.scatter [tilespmem:s25], [sflag:$0x3], $0x640, $0x38;
	[tilespmem:$0x13800] =	vst v63  }
0x1d5: {  	s10 =	sadd.s32 $0x708, s19  }
0x1d6: {  	[hbm4b:s10+s2] =	stream.linear.scatter [tilespmem:s26], [sflag:$0x3], $0x640, $0x38;
	[tilespmem:$0x13800] =	vst v63  }
0x1d7: {  	s12 =	sadd.s32 $0x7D0, s19  }
0x1d8: {  	[hbm4b:s12+s2] =	stream.linear.scatter [tilespmem:s28], [sflag:$0x3], $0x640, $0x38;
	[tilespmem:$0x13800] =	vst v63  }
0x1d9: {  	s14 =	sadd.s32 $0x898, s19  }
0x1da: {  	[hbm4b:s14+s2] =	stream.linear.scatter [tilespmem:s29], [sflag:$0x3], $0x640, $0x38;
	[tilespmem:$0x13800] =	vst v63  }
0x1db: {  	s15 =	sadd.s32 $0x960, s19  }
0x1dc: {  	[hbm4b:s15+s2] =	stream.linear.scatter [tilespmem:s30], [sflag:$0x3], $0x640, $0x38;
	[tilespmem:$0x13800] =	vst v63  }
0x1dd: {  	s21 =	sadd.s32 $0xA28, s19  }
0x1de: {  	[hbm4b:s21+s2] =	stream.linear.scatter [tilespmem:s31], [sflag:$0x3], $0x640, $0x38;
	[tilespmem:$0x13800] =	vst v63  }
0x1df: {  	s23 =	sadd.s32 $0xAF0, s19  }
0x1e0: {  	[hbm4b:s23+s2] =	stream.linear.scatter [tilespmem:s1], [sflag:$0x3], $0x640, $0x38;
	[tilespmem:$0x13800] =	vst v63  }
0x1e1: {  	s5 =	sadd.s32 $0xBB8, s19  }
0x1e2: {  	[hbm4b:s5+s2] =	stream.linear.scatter [tilespmem:s0], [sflag:$0x3], $0x640, $0x38;
	[tilespmem:$0x13800] =	vst v63  }
0x1e3: {  	_ =	swait.ge [sflag:s8], $0x3200  }
0x1e4: {  	[sflag:s8] =	ssyncset.done $0x0  }
0x1e5: {  	s7 =	sadd.s32 $0x640, s17;
	s6 =	rddreg [dreg:$0xb];
	[sflag:s8] =	ssyncadd.s32 $0xFFFFCE00  }
0x1e6: {  	[hbm4b:s7+s2] =	stream.linear.scatter [tilespmem:s6], [sflag:$0x3], $0x640, $0x38;
	[tilespmem:$0x13800] =	vst v63  }
0x1e7: {  	s12 =	sadd.s32 $0x708, s17;
	s10 =	rddreg [dreg:$0xc]  }
0x1e8: {  	[hbm4b:s12+s2] =	stream.linear.scatter [tilespmem:s10], [sflag:$0x3], $0x640, $0x38;
	[tilespmem:$0x13800] =	vst v63  }
0x1e9: {  	s15 =	sadd.s32 $0x7D0, s17;
	s14 =	rddreg [dreg:$0xd]  }
0x1ea: {  	[hbm4b:s15+s2] =	stream.linear.scatter [tilespmem:s14], [sflag:$0x3], $0x640, $0x38;
	[tilespmem:$0x13800] =	vst v63  }
0x1eb: {  	s21 =	sadd.s32 $0x898, s17;
	s19 =	rddreg [dreg:$0xe]  }
0x1ec: {  	[hbm4b:s21+s2] =	stream.linear.scatter [tilespmem:s19], [sflag:$0x3], $0x640, $0x38;
	[tilespmem:$0x13800] =	vst v63  }
0x1ed: {  	s23 =	rddreg [dreg:$0xf];
	s6 =	sadd.s32 $0x960, s17  }
0x1ee: {  	[hbm4b:s6+s2] =	stream.linear.scatter [tilespmem:s23], [sflag:$0x3], $0x640, $0x38;
	[tilespmem:$0x13800] =	vst v63  }
0x1ef: {  	s7 =	rddreg [dreg:$0x10];
	s10 =	sadd.s32 $0xA28, s17  }
0x1f0: {  	[hbm4b:s10+s2] =	stream.linear.scatter [tilespmem:s7], [sflag:$0x3], $0x640, $0x38;
	[tilespmem:$0x13800] =	vst v63  }
0x1f1: {  	s12 =	rddreg [dreg:$0x11];
	s14 =	sadd.s32 $0xAF0, s17  }
0x1f2: {  	[hbm4b:s14+s2] =	stream.linear.scatter [tilespmem:s12], [sflag:$0x3], $0x640, $0x38;
	[tilespmem:$0x13800] =	vst v63  }
0x1f3: {  	s15 =	rddreg [dreg:$0x12];
	s19 =	sadd.s32 $0xBB8, s17  }
0x1f4: {  	[hbm4b:s19+s2] =	stream.linear.scatter [tilespmem:s15], [sflag:$0x3], $0x640, $0x38;
	[tilespmem:$0x13800] =	vst v63  }
0x1f5: {  	_ =	swait.ge [sflag:s8], $0x3200  }
0x1f6: {  	s21 =	rddreg [dreg:$0x17]  }
0x1f7: {  	s23 =	rddreg [dreg:$0x14];
	s5 =	sadd.s32 $0x1, s21  }
0x1f8: {  	p0 =	sne.s32 s5, s23  }
.Ltmp1:
0x1f9: {  	_ = 	snop;
	(pc) =	sbr.rel @p0 .LBB2_1-.Ltmp1, $3  }
0x1fa: {  	_ =	sdelay $0x1  }
0x1fb: {  	[sflag:s8] =	ssyncset.done $0x0  }
0x1fc: {  	[sflag:s8] =	ssyncadd.s32 $0xFFFFCE00  }
0x1fd: {  	_ =	sfence.sel $0x180000  }
0x1fe: {  	[bflag:$0x0] =	sbarrier.arrive $0xFFFF  }
0x1ff: {  	_ =	strace $0x90000047  }
0x200: {  	s0 =	stileid.u32;
	[bflag:$0x2] =	sbarrier.arrive $0xFFFF  }
0x201: {  	p0 =	sne.s32 s0, $0x0;
	s0 =	rddreg [dreg:$0x2]  }
0x202: {  	s0 =	sadd.s32 @!p0 $0x100000, s0  }
0x203: {  	[sflag:s0] =	ssyncadd.tile.s32 @!p0 $0x1;
	_ =	shalt  }
.Lfunc_end2:
_tile_overlayer_lowered:
.L_overlay_start_2:
0x204: {  	(tag) =	ssettag $0x2  }
0x205: {  	s0 =	rddreg [dreg:$0x0];
	s2 =	stileid.u32  }
0x206: {  	s1 =	rddreg [dreg:$0x1];
	p0 =	sne.s32 s2, $0x0  }
0x207: {  	s3 =	rddreg [dreg:$0x2];
	[bflag:$0x3] =	sbarrier.arrive $0xFFFF;
	s2 =	simm.s32 @!p0 $0x1C03  }
0x208: {  	[timem:s3], [sflag:s2] =	dma.local @!p0 [hbm:s0], s1  }
0x209: {  	s0 =	simm.s32 @!p0 $0x3  }
0x20a: {  	_ =	swait.ge @!p0 [sflag:s0], s1  }
0x20b: {  	s1 =	ssub.s32 @!p0 $0x0, s1;
	[sflag:s0] =	ssyncset.done @!p0 $0x0  }
0x20c: {  	[sflag:s0] =	ssyncadd.s32 @!p0 s1  }
0x20d: {  	[bflag:$0x3] =	sbarrier.arrive $0xFFFF  }
0x20e: {  	_ =	shalt  }

// kernel: sparse-core-data-format-call.1.cloned.1.call-start
scs
called_computation.1_lowered:
.L_overlay_start_0:
0x0: {  	s1 =	sld [smem:$0x3FD9]  }
0x1: {  	s2 =	sld [smem:$0x3FFE];
	_ =	sdelay $0x1  }
0x2: {  	s3 =	srdreg.scid  }
0x3: {  	s0 =	sand.u32 $0x1, s3  }
0x4: {  	s17 =	sshll.u32 s0, $0xA;
	s1 =	sadd.s32 s2, s1  }
0x5: {  	s1 =	sadd.s32 s1, s17  }
0x6: {  	[smem:$0x3FC6] =	sst s1  }
0x7: {  	_ = 	snop  }
0x8: {  	(tm) =	ssettm $0x1  }
0x9: {  	s18 =	sld [smem:$0x3FFB];
	_ =	sdelay $0x3  }
0xa: {  	_ =	strace s18  }
0xb: {  	s1 =	sld [smem:$0x3FFC];
	_ =	sdelay $0x3  }
0xc: {  	_ =	strace s1  }
0xd: {  	s1 =	sld [smem:$0x3FFD];
	_ =	sdelay $0x3  }
0xe: {  	_ =	strace s1  }
0xf: {  	_ =	strace $0x8FFFFFFF  }
0x10: {  	s19 =	sld [smem:$0x3FDB];
	_ =	sdelay $0x1  }
0x11: {  	s20 =	simm.s32 $_scs_section_size  }
0x12: {  	s4 =	simm.s32 $_size__tile_overlayer_lowered;
	s5 =	simm.s32 $_tile_overlayer_lowered  }
0x13: {  	s23 =	simm.s32 $0x1BFF;
	s22 =	sshll.u32 s5, $0x1;
	s1 =	sadd.s32 s20, s19  }
0x14: {  	s6 =	simm.s32 $0x0;
	s21 =	sshll.u32 s4, $0x1;
	s4 =	sadd.s32 s22, s1  }
0x15: {  	[timem:s6], [sflag:s23] =	dma.local [hbm:s4], s21  }
0x16: {  	_ =	swait.ge [sflag:s23], s21  }
0x17: {  	s2 =	ssub.s32 $0x0, s21;
	[sflag:s23] =	ssyncset.done $0x0  }
0x18: {  	[sflag:s23] =	ssyncadd.s32 s2;
	_ =	sdelay $0x1  }
0x19: {  	s24 =	simm.s32 $0x1B8B  }
0x1a: {  	_ =	swait.ge [sflag:s24], $0x1  }
0x1b: {  	[sflag:s24] =	ssyncset.done $0x0  }
0x1c: {  	s26 =	simm.s32 $0x1B8E;
	s25 =	sld [smem:$0x3FFE];
	[sflag:s24] =	ssyncadd.s32 $0xFFFFFFFF  }
0x1d: {  	s27 =	simm.s32 $execute0_lowered;
	[smem:$0x3FD2] =	sst s26  }
0x1e: {  	s4 =	sshll.u32 s27, $0x1;
	_ =	strace $0x80000049;
	[dreg:$0x1] =	wrdreg $0xFFFFFFFF  }
0x1f: {  	s28 =	simm.s32 $_size_execute0_lowered;
	s1 =	sadd.s32 s1, s4;
	[dreg:$0x0] =	wrdreg $0x0  }
0x20: {  	s4 =	sshll.u32 s28, $0x1;
	[dreg:$0x2] =	wrdreg s1  }
0x21: {  	[dreg:$0x3] =	wrdreg s4  }
0x22: {  	[dreg:$0x4] =	wrdreg $0xC0  }
0x23: {  	_ =	task [dreg:s6], $0x5FFFF  }
0x24: {  	[dreg:$0x1] =	wrdreg $0xFFFFFFFF  }
0x25: {  	[dreg:$0x0] =	wrdreg $0x60  }
0x26: {  	[dreg:$0x2] =	wrdreg s25  }
0x27: {  	[dreg:$0x3] =	wrdreg $0xA  }
0x28: {  	_ =	task.clear_ibuf [dreg:s6], $0x4FFFF;
	_ =	strace $0x90000049  }
0x29: {  	s29 =	simm.s32 $0xA;
	_ =	strace $0x8000004B  }
0x2a: {  	_ =	swait.ge [sflag:s29], $0x1  }
0x2b: {  	[sflag:s29] =	ssyncadd.s32 $0xFFFFFFFF  }
0x2c: {  	_ =	strace $0x9000004B  }
0x2d: {  	_ =	sfence  }
0x2e: {  	s30 =	sld [smem:$0x0];
	_ =	sdelay $0x2  }
0x2f: {  	s31 =	sshll.u32 s3, $0xD;
	s3 =	sshrl.u32 s3, $0x2  }
0x30: {  	s2 =	sand.u32 $0x4000, s31;
	s1 =	sadd.s32 s3, s30  }
0x31: {  	s0 =	sor.u32 s2, s0;
	s1 =	sshll.u32 s1, $0x11  }
0x32: {  	s0 =	sor.u32 s1, s0  }
0x33: {  	s0 =	sadd.s32 $0x8F2B, s0  }
0x34: {  	[sflag:s0] =	ssyncadd.remote.s32 $0x1  }
0x35: {  	_ =	sfence.sel $0xFFFF  }
0x36: {  	[dreg:$0x0] =	wrdreg $0xFFFFFFFF;
	(pc) =	sbr.abs _section_cstart, $3  }
0x37: {  	[dreg:$0x1] =	wrdreg $0xFFFFFFFF  }
0x38: {  	_ =	task.clear_ibuf [dreg:s6], $0x2FFFF;
	_ =	strace $0x9FFFFFFF  }
0x39: {  	(tm) =	ssettm $0x7FFFFFFF  }
tec
execute0_lowered:
.L_overlay_start_1:
0x0: {  	(tag) =	ssettag $0x1  }
0x1: {  	s0 =	srdreg.scid  }
0x2: {  	s1 =	sshll.u32 s0, $0x4  }
0x3: {  	s0 =	stileid.u32;
	s1 =	sand.u32 $0x10, s1  }
0x4: {  	s1 =	sor.u32 s0, s1  }
0x5: {  	s6 =	rddreg [dreg:$0x0];
	s7 =	simm.s32 $0x2;
	s2 =	sshll.u32 s1, $0x7  }
0x6: {  	s12 =	simm.s32 $0x0;
	s8 =	simm.s32 $0x20000;
	s1 =	ssub.s32 $0x4000, s2  }
0x7: {  	s13 =	simm.s32 $0x0;
	s9 =	simm.s32 $0x0;
	s3 =	sand.u32 $0xF80, s1  }
0x8: {  	s11 =	simm.s32 $0x0;
	p0 =	sne.s32 s3, $0x0;
	s3 =	simm.s32 $0x1  }
.Ltmp0:
0x9: {  	s4 =	sshrl.u32 s1, $0xC;
	s3 =	simm.s32 @!p0 $0x0;
	(pc) =	sbr.rel .LBB1_1-.Ltmp0, $4  }
0xa: {  	s5 =	sadd.s32 $0x33D200, s6;
	s1 =	rddreg [dreg:$0x1];
	s4 =	sadd.s32 s3, s4  }
0xb: {  	_ =	strace $0x8000004A;
	s3 =	simm.s32 $0x1;
	s4 =	smul.u32 $0x19, s4  }
0xc: {  	s6 =	sadd.s32 $0x1200, s6;
	s10 =	smov.u32 s2;
	[sflag:s3] =	ssyncpa.u1 $0x0  }
0xd: {  	p0 =	por $0x0, $0x0;
	[sflag:s7] =	ssyncpa.u1 $0x0;
	s7 =	sadd.s32 $0x1, s4  }
.LBB1_4:
0xe: {  	s16 =	sshll.u32 s13, $0x3;
	s17 =	sand.u32 $0x78, s13  }
0xf: {  	s30 =	sand.u32 $0x1F800, s13;
	s12 =	sshll.u32 s12, $0x11;
	s16 =	sand.u32 $0x3C00, s16  }
0x10: {  	[tilespmem:s15+$0x810 ss:$0x81] =	vst.msk $0xffff, v2;
	s31 =	sand.u32 $0x7, s13;
	s16 =	sor.u32 s17, s16;
	s17 =	sadd.s32 s6, s30  }
0x11: {  	[tilespmem:s15+$0x1020 ss:$0x81] =	vst.msk $0xffff, v0;
	s13 =	sshll.u32 s31, $0x12;
	s12 =	sadd.s32 s12, s17;
	s16 =	sshrl.u32 s16, $0x3  }
0x12: {  	[tilespmem:s15+$0x0 ss:$0x81] =	vst.msk $0xffff, v1;
	s13 =	sor.u32 $0x400, s13;
	s12 =	sadd.s32 s16, s12  }
0x13: {  	[hbm4b:s12+s13] =	stream.strided.scatter [tilespmem:s14], [sflag:$0x2], $0x2000, s8, s13, $0x20;
	[tilespmem:$0x8080] =	vst v63  }
.LBB1_5:
0x14: {  	s14 =	sadd.s32 $0x1, s9  }
0x15: {  	s12 =	sadd.s32 $0x1000, s10;
	s16 =	smov.u32 s10;
	p2 =	sgt.s32 s14, $0x18  }
0x16: {  	s16 =	smov.u32 @p2 s12  }
0x17: {  	s14 =	simm.s32 @p2 $0x0;
	p2 =	sgt.s32 s16, $0x3FFF  }
0x18: {  	s16 =	smov.u32 @p2 s2;
	p2 =	sne.s32 s11, s7  }
.Ltmp1:
0x19: {  	p1 =	slt.u32 s11, $0x2;
	(pc) =	sbr.rel @!p2 .LBB1_6-.Ltmp1, $4  }
0x1a: {  	s15 =	simm.s32 @!p1 $0x2  }
0x1b: {  	s13 =	smov.u32 s10;
	p0 =	por !p0, !p0;
	_ =	swait.ge @!p1 [sflag:s15], $0x2000  }
0x1c: {  	s12 =	smov.u32 s9;
	[sflag:s15] =	ssyncset.done @!p1 $0x0;
	s9 =	smov.u32 s14  }
0x1d: {  	s11 =	sadd.s32 $0x1, s11;
	[sflag:s15] =	ssyncadd.s32 @!p1 $0xFFFFE000;
	s10 =	smov.u32 s16  }
.LBB1_1:
0x1e: {  	p1 =	sge.u32 s11, s4  }
0x1f: {  	s31 =	sadd.s32 $0xFFFFFFFF, s11;
	s14 =	sxor.u32 @!p1 $0xFFFFFFFF, s11  }
0x20: {  	s15 =	sshll.u32 @!p1 s10, $0x9;
	s16 =	sshll.u32 @!p1 s9, $0x4;
	s17 =	simm.s32 @!p1 $0x1000  }
0x21: {  	s14 =	sshll.u32 @!p1 s14, $0xD;
	s16 =	sand.u32 @!p1 $0x1F0, s16;
	s15 =	sadd.s32 @!p1 s5, s15  }
0x22: {  	s14 =	sand.u32 @!p1 $0x2000, s14;
	s15 =	sadd.s32 @!p1 s16, s15;
	s16 =	simm.s32 @!p1 $0x40  }
0x23: {  	[tilespmem:s14], [sflag:$0x1] =	stream.strided.gather @!p1 [hbm4b:s15+s16], $0x2000, s17, s16, $0x38;
	[tilespmem:$0x8080] =	vst v63  }
0x24: {  	p1 =	sge.u32 s31, s4  }
.Ltmp2:
0x25: {  	_ = 	snop;
	(pc) =	sbr.rel @p1 .LBB1_5-.Ltmp2, $1  }
0x26: {  	_ =	sdelay $0x3  }
0x27: {  	s14 =	simm.s32 $0x1  }
0x28: {  	_ =	swait.ge [sflag:s3], $0x2000;
	s14 =	simm.s32 @!p0 $0x0  }
0x29: {  	[sflag:s3] =	ssyncset.done $0x0;
	s15 =	sshll.u32 s14, $0xD  }
0x2a: {  	[sflag:s3] =	ssyncadd.s32 $0xFFFFE000;
	s18 =	sor.u32 $0x20, s15  }
0x2b: {  	s14 =	smul.u32 $0x8100, s14;
	v3 =	vld [tilespmem:s18+$0x10]  }
0x2c: {  	s30 =	sand.u32 $0x1, s11;
	v2 =	vld [tilespmem:s18+$0xFFFFFFF0]  }
0x2d: {  	s15 =	smul.u32 $0x8100, s30;
	s14 =	sshrl.u32 s14, $0x2;
	v0 =	vld [tilespmem:s18+$0x0]  }
0x2e: {  	v1 =	vld [tilespmem:s18+$0xFFFFFFE0];
	s16 =	sor.u32 $0x4000, s14  }
0x2f: {  	s31 =	sshrl.u32 s15, $0x2;
	s15 =	sadd.s32 $0x0, s16  }
0x30: {  	s17 =	simm.s32 $0x4;
	s18 =	sadd.s32 $0x40, s18;
	s14 =	sor.u32 $0x4000, s31;
	[tilespmem:s15+$0x1830 ss:$0x81] =	vst.msk $0xffff, v3  }
.LBB1_3:
0x31: {  	v3 =	vld [tilespmem:s18+$0x10];
	p1 =	sne.s32 s17, $0x1FC;
	[tilespmem:s15+$0x810 ss:$0x81] =	vst.msk $0xffff, v2;
	s19 =	smov.u32 s17;
	s17 =	sadd.s32 $0x4, s17  }
.Ltmp3:
0x32: {  	v2 =	vld [tilespmem:s18+$0xFFFFFFF0];
	[tilespmem:s15+$0x1020 ss:$0x81] =	vst.msk $0xffff, v0;
	(pc) =	sbr.rel @p1 .LBB1_3-.Ltmp3, $4  }
0x33: {  	v0 =	vld [tilespmem:s18+$0x0];
	[tilespmem:s15+$0x0 ss:$0x81] =	vst.msk $0xffff, v1  }
0x34: {  	s15 =	sshra.s32 s19, $0x2;
	v1 =	vld [tilespmem:s18+$0xFFFFFFE0]  }
0x35: {  	s15 =	sadd.s32 s15, s16  }
0x36: {  	s18 =	sadd.s32 $0x40, s18;
	[tilespmem:s15+$0x1830 ss:$0x81] =	vst.msk $0xffff, v3  }
.Ltmp4:
0x37: {  	_ = 	snop;
	(pc) =	sbr.rel .LBB1_4-.Ltmp4, $1  }
0x38: {  	_ =	sdelay $0x3  }
.LBB1_6:
0x39: {  	_ =	sfence.sel $0x180000  }
0x3a: {  	s2 =	simm.s32 $0x1;
	[bflag:$0x0] =	sbarrier.arrive $0xFFFF  }
0x3b: {  	s31 =	simm.s32 $0x2;
	[sflag:s2] =	ssyncpa.u1 $0x1  }
0x3c: {  	[sflag:s31] =	ssyncpa.u1 $0x1  }
0x3d: {  	p0 =	sne.s32 s0, $0x0;
	_ =	strace $0x9000004A  }
0x3e: {  	s0 =	sadd.s32 @!p0 $0x100000, s1;
	[bflag:$0x2] =	sbarrier.arrive $0xFFFF  }
0x3f: {  	[sflag:s0] =	ssyncadd.tile.s32 @!p0 $0x1;
	_ =	shalt  }
.Lfunc_end1:
_tile_overlayer_lowered:
.L_overlay_start_2:
0x40: {  	(tag) =	ssettag $0x2  }
0x41: {  	s0 =	rddreg [dreg:$0x0];
	s2 =	stileid.u32  }
0x42: {  	s1 =	rddreg [dreg:$0x1];
	p0 =	sne.s32 s2, $0x0  }
0x43: {  	s3 =	rddreg [dreg:$0x2];
	[bflag:$0x3] =	sbarrier.arrive $0xFFFF;
	s2 =	simm.s32 @!p0 $0x1C01  }
0x44: {  	[timem:s3], [sflag:s2] =	dma.local @!p0 [hbm:s0], s1  }
0x45: {  	s0 =	simm.s32 @!p0 $0x1  }
0x46: {  	_ =	swait.ge @!p0 [sflag:s0], s1  }
0x47: {  	s1 =	ssub.s32 @!p0 $0x0, s1;
	[sflag:s0] =	ssyncset.done @!p0 $0x0  }
0x48: {  	[sflag:s0] =	ssyncadd.s32 @!p0 s1  }
0x49: {  	[bflag:$0x3] =	sbarrier.arrive $0xFFFF  }
0x4a: {  	_ =	shalt  }

// kernel: sparse-core-data-format-call.cloned.1.call-start
scs
called_computation_lowered:
.L_overlay_start_0:
0x0: {  	s2 =	sld [smem:$0x3FD9]  }
0x1: {  	s3 =	sld [smem:$0x3FFE];
	_ =	sdelay $0x1  }
0x2: {  	s1 =	srdreg.scid  }
0x3: {  	s0 =	sand.u32 $0x1, s1  }
0x4: {  	s18 =	sshll.u32 s0, $0xA;
	s2 =	sadd.s32 s3, s2  }
0x5: {  	s2 =	sadd.s32 s2, s18  }
0x6: {  	[smem:$0x3FC6] =	sst s2  }
0x7: {  	_ = 	snop  }
0x8: {  	(tm) =	ssettm $0x1  }
0x9: {  	s19 =	sld [smem:$0x3FFB];
	_ =	sdelay $0x3  }
0xa: {  	_ =	strace s19  }
0xb: {  	s2 =	sld [smem:$0x3FFC];
	_ =	sdelay $0x3  }
0xc: {  	_ =	strace s2  }
0xd: {  	s2 =	sld [smem:$0x3FFD];
	_ =	sdelay $0x3  }
0xe: {  	_ =	strace s2  }
0xf: {  	_ =	strace $0x8FFFFFFF  }
0x10: {  	s20 =	sld [smem:$0x3FDB];
	_ =	sdelay $0x1  }
0x11: {  	s21 =	simm.s32 $_scs_section_size  }
0x12: {  	s4 =	simm.s32 $_size__tile_overlayer_lowered;
	s5 =	simm.s32 $_tile_overlayer_lowered  }
0x13: {  	s6 =	simm.s32 $0x1BFF;
	s22 =	sshll.u32 s5, $0x1;
	s3 =	sadd.s32 s21, s20  }
0x14: {  	s23 =	simm.s32 $0x0;
	s4 =	sshll.u32 s4, $0x1;
	s5 =	sadd.s32 s22, s3  }
0x15: {  	[timem:s23], [sflag:s6] =	dma.local [hbm:s5], s4  }
0x16: {  	_ =	swait.ge [sflag:s6], s4  }
0x17: {  	s4 =	ssub.s32 $0x0, s4;
	[sflag:s6] =	ssyncset.done $0x0  }
0x18: {  	[sflag:s6] =	ssyncadd.s32 s4;
	_ =	sdelay $0x1  }
0x19: {  	s24 =	simm.s32 $0x1B8B  }
0x1a: {  	_ =	swait.ge [sflag:s24], $0x1  }
0x1b: {  	[sflag:s24] =	ssyncset.done $0x0  }
0x1c: {  	[sflag:s24] =	ssyncadd.s32 $0xFFFFFFFF  }
0x1d: {  	s4 =	sld [smem:$0x0]  }
0x1e: {  	s5 =	sand.u32 $0xFFFFFFFE, s1  }
0x1f: {  	p0 =	sne.s32 s1, s5  }
0x20: {  	s5 =	sshll.u32 @p0 s5, $0xE  }
0x21: {  	s5 =	sadd.s32 @p0 $0x11B8D, s5;
	s6 =	sshll.u32 @p0 s4, $0x11  }
0x22: {  	s5 =	sor.u32 @p0 s6, s5  }
0x23: {  	[sflag:s5] =	ssyncadd.remote.s32 @p0 $0x1;
	_ =	sdelay $0x1  }
0x24: {  	s5 =	simm.s32 @p0 $0x1B8D  }
0x25: {  	_ =	swait.eq @p0 [sflag:s5], $0x1  }
0x26: {  	[sflag:s5] =	ssyncadd.s32 @p0 $0xFFFFFFFF  }
0x27: {  	s6 =	sshll.u32 @!p0 s1, $0xE  }
0x28: {  	s6 =	sor.u32 @!p0 $0x4000, s6;
	s5 =	simm.s32 @!p0 $0x1B8D  }
0x29: {  	s4 =	sshll.u32 @!p0 s4, $0x11;
	s6 =	sadd.s32 @!p0 $0x11B8D, s6;
	_ =	swait.eq @!p0 [sflag:s5], $0x1  }
0x2a: {  	s4 =	sor.u32 @!p0 s4, s6;
	[sflag:s5] =	ssyncadd.s32 @!p0 $0xFFFFFFFF  }
0x2b: {  	s26 =	simm.s32 $0x1B8E;
	s25 =	sld [smem:$0x3FFE];
	[sflag:s4] =	ssyncadd.remote.s32 @!p0 $0x1  }
0x2c: {  	s27 =	simm.s32 $execute0_lowered;
	[smem:$0x3FD2] =	sst s26  }
0x2d: {  	s5 =	sshll.u32 s27, $0x1;
	_ =	strace $0x8000004C;
	[dreg:$0x1] =	wrdreg $0xFFFFFFFF  }
0x2e: {  	s28 =	simm.s32 $_size_execute0_lowered;
	s3 =	sadd.s32 s3, s5;
	[dreg:$0x0] =	wrdreg $0x0  }
0x2f: {  	s5 =	sshll.u32 s28, $0x1;
	[dreg:$0x2] =	wrdreg s3  }
0x30: {  	[dreg:$0x3] =	wrdreg s5  }
0x31: {  	[dreg:$0x4] =	wrdreg $0xC0  }
0x32: {  	_ =	task [dreg:s23], $0x5FFFF  }
0x33: {  	[dreg:$0x1] =	wrdreg $0xFFFFFFFF  }
0x34: {  	[dreg:$0x0] =	wrdreg $0x60  }
0x35: {  	[dreg:$0x2] =	wrdreg s25  }
0x36: {  	[dreg:$0x3] =	wrdreg $0x9  }
0x37: {  	_ =	task.clear_ibuf [dreg:s23], $0x4FFFF;
	_ =	strace $0x9000004C  }
0x38: {  	s29 =	simm.s32 $0x9;
	_ =	strace $0x8000004E  }
0x39: {  	_ =	swait.ge [sflag:s29], $0x1  }
0x3a: {  	[sflag:s29] =	ssyncadd.s32 $0xFFFFFFFF  }
0x3b: {  	_ =	strace $0x9000004E  }
0x3c: {  	_ =	sfence  }
0x3d: {  	s30 =	sld [smem:$0x0];
	_ =	sdelay $0x2  }
0x3e: {  	s31 =	sshll.u32 s1, $0xD;
	s1 =	sshrl.u32 s1, $0x2  }
0x3f: {  	s4 =	sand.u32 $0x4000, s31;
	s1 =	sadd.s32 s1, s30  }
0x40: {  	s0 =	sor.u32 s4, s0;
	s1 =	sshll.u32 s1, $0x11  }
0x41: {  	s0 =	sor.u32 s1, s0  }
0x42: {  	s0 =	sadd.s32 $0x8F2B, s0  }
0x43: {  	[sflag:s0] =	ssyncadd.remote.s32 $0x1  }
0x44: {  	_ =	sfence.sel $0xFFFF  }
0x45: {  	[dreg:$0x0] =	wrdreg $0xFFFFFFFF;
	(pc) =	sbr.abs _section_cstart, $3  }
0x46: {  	[dreg:$0x1] =	wrdreg $0xFFFFFFFF  }
0x47: {  	_ =	task.clear_ibuf [dreg:s23], $0x2FFFF;
	_ =	strace $0x9FFFFFFF  }
0x48: {  	(tm) =	ssettm $0x7FFFFFFF  }
0x49: {  	_ =	shalt  }
tec
execute0_lowered:
.L_overlay_start_1:
0x0: {  	(tag) =	ssettag $0x1  }
0x1: {  	s0 =	srdreg.scid  }
0x2: {  	s1 =	sshll.u32 s0, $0x4  }
0x3: {  	s0 =	stileid.u32;
	s1 =	sand.u32 $0x10, s1  }
0x4: {  	s1 =	sor.u32 s0, s1  }
0x5: {  	s6 =	rddreg [dreg:$0x0];
	s7 =	simm.s32 $0x2;
	s2 =	sshll.u32 s1, $0x7  }
0x6: {  	s12 =	simm.s32 $0x0;
	s8 =	simm.s32 $0x20000;
	s1 =	ssub.s32 $0x4000, s2  }
0x7: {  	s13 =	simm.s32 $0x0;
	s9 =	simm.s32 $0x0;
	s3 =	sand.u32 $0xF80, s1  }
0x8: {  	s11 =	simm.s32 $0x0;
	p0 =	sne.s32 s3, $0x0;
	s3 =	simm.s32 $0x1  }
.Ltmp0:
0x9: {  	s4 =	sshrl.u32 s1, $0xC;
	s3 =	simm.s32 @!p0 $0x0;
	(pc) =	sbr.rel .LBB1_1-.Ltmp0, $4  }
0xa: {  	s5 =	sadd.s32 $0xB3D200, s6;
	s1 =	rddreg [dreg:$0x1];
	s4 =	sadd.s32 s3, s4  }
0xb: {  	_ =	strace $0x8000004D;
	s3 =	simm.s32 $0x1;
	s4 =	smul.u32 $0x19, s4  }
0xc: {  	s6 =	sadd.s32 $0x133D200, s6;
	s10 =	smov.u32 s2;
	[sflag:s3] =	ssyncpa.u1 $0x0  }
0xd: {  	p0 =	por $0x0, $0x0;
	[sflag:s7] =	ssyncpa.u1 $0x0;
	s7 =	sadd.s32 $0x1, s4  }
.LBB1_4:
0xe: {  	s16 =	sshll.u32 s13, $0x3;
	s17 =	sand.u32 $0x78, s13  }
0xf: {  	s30 =	sand.u32 $0x1F800, s13;
	s12 =	sshll.u32 s12, $0x11;
	s16 =	sand.u32 $0x3C00, s16  }
0x10: {  	[tilespmem:s15+$0x810 ss:$0x81] =	vst.msk $0xffff, v2;
	s31 =	sand.u32 $0x7, s13;
	s16 =	sor.u32 s17, s16;
	s17 =	sadd.s32 s6, s30  }
0x11: {  	[tilespmem:s15+$0x1020 ss:$0x81] =	vst.msk $0xffff, v0;
	s13 =	sshll.u32 s31, $0x12;
	s12 =	sadd.s32 s12, s17;
	s16 =	sshrl.u32 s16, $0x3  }
0x12: {  	[tilespmem:s15+$0x0 ss:$0x81] =	vst.msk $0xffff, v1;
	s13 =	sor.u32 $0x400, s13;
	s12 =	sadd.s32 s16, s12  }
0x13: {  	[hbm4b:s12+s13] =	stream.strided.scatter [tilespmem:s14], [sflag:$0x2], $0x2000, s8, s13, $0x20;
	[tilespmem:$0x8080] =	vst v63  }
.LBB1_5:
0x14: {  	s14 =	sadd.s32 $0x1, s9  }
0x15: {  	s12 =	sadd.s32 $0x1000, s10;
	s16 =	smov.u32 s10;
	p2 =	sgt.s32 s14, $0x18  }
0x16: {  	s16 =	smov.u32 @p2 s12  }
0x17: {  	s14 =	simm.s32 @p2 $0x0;
	p2 =	sgt.s32 s16, $0x3FFF  }
0x18: {  	s16 =	smov.u32 @p2 s2;
	p2 =	sne.s32 s11, s7  }
.Ltmp1:
0x19: {  	p1 =	slt.u32 s11, $0x2;
	(pc) =	sbr.rel @!p2 .LBB1_6-.Ltmp1, $4  }
0x1a: {  	s15 =	simm.s32 @!p1 $0x2  }
0x1b: {  	s13 =	smov.u32 s10;
	p0 =	por !p0, !p0;
	_ =	swait.ge @!p1 [sflag:s15], $0x2000  }
0x1c: {  	s12 =	smov.u32 s9;
	[sflag:s15] =	ssyncset.done @!p1 $0x0;
	s9 =	smov.u32 s14  }
0x1d: {  	s11 =	sadd.s32 $0x1, s11;
	[sflag:s15] =	ssyncadd.s32 @!p1 $0xFFFFE000;
	s10 =	smov.u32 s16  }
.LBB1_1:
0x1e: {  	p1 =	sge.u32 s11, s4  }
0x1f: {  	s31 =	sadd.s32 $0xFFFFFFFF, s11;
	s14 =	sxor.u32 @!p1 $0xFFFFFFFF, s11  }
0x20: {  	s15 =	sshll.u32 @!p1 s10, $0x9;
	s16 =	sshll.u32 @!p1 s9, $0x4;
	s17 =	simm.s32 @!p1 $0x1000  }
0x21: {  	s14 =	sshll.u32 @!p1 s14, $0xD;
	s16 =	sand.u32 @!p1 $0x1F0, s16;
	s15 =	sadd.s32 @!p1 s5, s15  }
0x22: {  	s14 =	sand.u32 @!p1 $0x2000, s14;
	s15 =	sadd.s32 @!p1 s16, s15;
	s16 =	simm.s32 @!p1 $0x40  }
0x23: {  	[tilespmem:s14], [sflag:$0x1] =	stream.strided.gather @!p1 [hbm4b:s15+s16], $0x2000, s17, s16, $0x38;
	[tilespmem:$0x8080] =	vst v63  }
0x24: {  	p1 =	sge.u32 s31, s4  }
.Ltmp2:
0x25: {  	_ = 	snop;
	(pc) =	sbr.rel @p1 .LBB1_5-.Ltmp2, $1  }
0x26: {  	_ =	sdelay $0x3  }
0x27: {  	s14 =	simm.s32 $0x1  }
0x28: {  	_ =	swait.ge [sflag:s3], $0x2000;
	s14 =	simm.s32 @!p0 $0x0  }
0x29: {  	[sflag:s3] =	ssyncset.done $0x0;
	s15 =	sshll.u32 s14, $0xD  }
0x2a: {  	[sflag:s3] =	ssyncadd.s32 $0xFFFFE000;
	s18 =	sor.u32 $0x20, s15  }
0x2b: {  	s14 =	smul.u32 $0x8100, s14;
	v3 =	vld [tilespmem:s18+$0x10]  }
0x2c: {  	s30 =	sand.u32 $0x1, s11;
	v2 =	vld [tilespmem:s18+$0xFFFFFFF0]  }
0x2d: {  	s15 =	smul.u32 $0x8100, s30;
	s14 =	sshrl.u32 s14, $0x2;
	v0 =	vld [tilespmem:s18+$0x0]  }
0x2e: {  	v1 =	vld [tilespmem:s18+$0xFFFFFFE0];
	s16 =	sor.u32 $0x4000, s14  }
0x2f: {  	s31 =	sshrl.u32 s15, $0x2;
	s15 =	sadd.s32 $0x0, s16  }
0x30: {  	s17 =	simm.s32 $0x4;
	s18 =	sadd.s32 $0x40, s18;
	s14 =	sor.u32 $0x4000, s31;
	[tilespmem:s15+$0x1830 ss:$0x81] =	vst.msk $0xffff, v3  }
.LBB1_3:
0x31: {  	v3 =	vld [tilespmem:s18+$0x10];
	p1 =	sne.s32 s17, $0x1FC;
	[tilespmem:s15+$0x810 ss:$0x81] =	vst.msk $0xffff, v2;
	s19 =	smov.u32 s17;
	s17 =	sadd.s32 $0x4, s17  }
.Ltmp3:
0x32: {  	v2 =	vld [tilespmem:s18+$0xFFFFFFF0];
	[tilespmem:s15+$0x1020 ss:$0x81] =	vst.msk $0xffff, v0;
	(pc) =	sbr.rel @p1 .LBB1_3-.Ltmp3, $4  }
0x33: {  	v0 =	vld [tilespmem:s18+$0x0];
	[tilespmem:s15+$0x0 ss:$0x81] =	vst.msk $0xffff, v1  }
0x34: {  	s15 =	sshra.s32 s19, $0x2;
	v1 =	vld [tilespmem:s18+$0xFFFFFFE0]  }
0x35: {  	s15 =	sadd.s32 s15, s16  }
0x36: {  	s18 =	sadd.s32 $0x40, s18;
	[tilespmem:s15+$0x1830 ss:$0x81] =	vst.msk $0xffff, v3  }
.Ltmp4:
0x37: {  	_ = 	snop;
	(pc) =	sbr.rel .LBB1_4-.Ltmp4, $1  }
0x38: {  	_ =	sdelay $0x3  }
.LBB1_6:
0x39: {  	_ =	sfence.sel $0x180000  }
0x3a: {  	s2 =	simm.s32 $0x1;
	[bflag:$0x0] =	sbarrier.arrive $0xFFFF  }
0x3b: {  	s31 =	simm.s32 $0x2;
	[sflag:s2] =	ssyncpa.u1 $0x1  }
0x3c: {  	[sflag:s31] =	ssyncpa.u1 $0x1  }
0x3d: {  	p0 =	sne.s32 s0, $0x0;
	_ =	strace $0x9000004D  }
0x3e: {  	s0 =	sadd.s32 @!p0 $0x100000, s1;
	[bflag:$0x2] =	sbarrier.arrive $0xFFFF  }
0x3f: {  	[sflag:s0] =	ssyncadd.tile.s32 @!p0 $0x1;
	_ =	shalt  }
.Lfunc_end1:
_tile_overlayer_lowered:
.L_overlay_start_2:
0x40: {  	(tag) =	ssettag $0x2  }
0x41: {  	s0 =	rddreg [dreg:$0x0];
	s2 =	stileid.u32  }
0x42: {  	s1 =	rddreg [dreg:$0x1];
	p0 =	sne.s32 s2, $0x0  }
0x43: {  	s3 =	rddreg [dreg:$0x2];
	[bflag:$0x3] =	sbarrier.arrive $0xFFFF;
	s2 =	simm.s32 @!p0 $0x1C01  }
0x44: {  	[timem:s3], [sflag:s2] =	dma.local @!p0 [hbm:s0], s1  }
0x45: {  	s0 =	simm.s32 @!p0 $0x1  }
0x46: {  	_ =	swait.ge @!p0 [sflag:s0], s1  }
0x47: {  	s1 =	ssub.s32 @!p0 $0x0, s1;
	[sflag:s0] =	ssyncset.done @!p0 $0x0  }
0x48: {  	[sflag:s0] =	ssyncadd.s32 @!p0 s1  }
0x49: {  	[bflag:$0x3] =	sbarrier.arrive $0xFFFF  }
0x4a: {  	_ =	shalt  }

</sc_bundles>
